<compile_context>
chip_gen: v7x
topology: tpu7x:2x2x1
jax: 0.10.2.dev20260603
libtpu: 0.0.44.dev20260713+nightly
codegen_flags: <defaults>
</compile_context>

<pallas_src>
import functools

import jax
import jax.numpy as jnp
from jax import lax
from jax.experimental import pallas as pl
from jax.experimental.pallas import tpu as pltpu
from jax.experimental.pallas import tpu_sc as plsc

N = 10000
E = 320000
D = 128
H = 128

NC = 2
NT = 16
EPT = E // NT
CHUNK = 96
KITER = 210
EPTP = KITER * CHUNK
R0 = 5008
R1 = N - R0
ACC_ROWS = R0 + NT
P0_PER, P0_LAST = 320, R0 - 15 * 320
P1_PER = R1 // NT


def _sc_body(x_hbm, idx_hbm, out_hbm, src_v, dst_v, rows_v, acc_sh, sem0, sem1):
    c = lax.axis_index("c")
    s = lax.axis_index("s")

    pltpu.sync_copy(idx_hbm.at[c, 0, s], src_v)

    def run_pass(slot, base, per, per_last):
        @pl.when(s < NT - 1)
        def _():
            pltpu.sync_copy(x_hbm.at[pl.ds(base + s * per, per)],
                            acc_sh.at[pl.ds(s * per, per)])

        @pl.when(s == NT - 1)
        def _():
            pltpu.sync_copy(x_hbm.at[pl.ds(base + 15 * per, per_last)],
                            acc_sh.at[pl.ds(15 * per, per_last)])

        pltpu.sync_copy(idx_hbm.at[c, slot, s], dst_v)
        plsc.subcore_barrier()

        pltpu.async_copy(x_hbm.at[src_v.at[0]], rows_v.at[0], sem0)
        pltpu.async_copy(x_hbm.at[src_v.at[1]], rows_v.at[1], sem1)

        def step(g, carry):
            for b, sem in ((0, sem0), (1, sem1)):
                j = 2 * g + b
                pltpu.make_async_copy(x_hbm.at[src_v.at[j]],
                                      rows_v.at[b], sem).wait()
                pltpu.sync_copy(rows_v.at[b], acc_sh.at[dst_v.at[j]], add=True)
                jn = jnp.minimum(j + 2, KITER - 1)
                pltpu.async_copy(x_hbm.at[src_v.at[jn]], rows_v.at[b], sem)
            return carry

        lax.fori_loop(0, KITER // 2, step, 0)
        pltpu.make_async_copy(x_hbm.at[src_v.at[KITER - 1]],
                              rows_v.at[0], sem0).wait()
        pltpu.make_async_copy(x_hbm.at[src_v.at[KITER - 1]],
                              rows_v.at[1], sem1).wait()
        plsc.subcore_barrier()

        @pl.when(s < NT - 1)
        def _():
            pltpu.sync_copy(acc_sh.at[pl.ds(s * per, per)],
                            out_hbm.at[c, pl.ds(base + s * per, per)])

        @pl.when(s == NT - 1)
        def _():
            pltpu.sync_copy(acc_sh.at[pl.ds(15 * per, per_last)],
                            out_hbm.at[c, pl.ds(base + 15 * per, per_last)])

        plsc.subcore_barrier()

    run_pass(1, 0, P0_PER, P0_LAST)
    run_pass(2, R0, P1_PER, P1_PER)


@functools.cache
def _sc_aggregate():
    return pl.kernel(
        _sc_body,
        mesh=plsc.VectorSubcoreMesh(core_axis_name="c", subcore_axis_name="s"),
        out_type=jax.ShapeDtypeStruct((NC, N, D), jnp.float32),
        scratch_types=[
            pltpu.VMEM((KITER, CHUNK), jnp.int32),
            pltpu.VMEM((KITER, CHUNK), jnp.int32),
            pltpu.VMEM((2, CHUNK, D), jnp.float32),
            pltpu.VMEM_SHARED((ACC_ROWS, D), jnp.float32),
            pltpu.SemaphoreType.DMA,
            pltpu.SemaphoreType.DMA,
        ],
    )


def _bn_relu(t, g, be):
    m = jnp.mean(t, axis=0, keepdims=True)
    v = jnp.mean((t - m) ** 2, axis=0, keepdims=True)
    return jnp.maximum(g * (t - m) / jnp.sqrt(v + 1e-5) + be, 0.0)


def _mlp_body(ou_ref, ob_ref,
              W1u_ref, b1u_ref, g1u_ref, be1u_ref,
              W2u_ref, b2u_ref, g2u_ref, be2u_ref,
              W1b_ref, b1b_ref, g1b_ref, be1b_ref,
              W2b_ref, b2b_ref, g2b_ref, be2b_ref,
              Wcu_ref, Wcb_ref, bc_ref, gc_ref, bec_ref,
              o_ref):
    f32 = jnp.float32
    hu = _bn_relu(jnp.dot(ou_ref[...], W1u_ref[...], preferred_element_type=f32)
                  + b1u_ref[...], g1u_ref[...], be1u_ref[...])
    hu = _bn_relu(jnp.dot(hu, W2u_ref[...], preferred_element_type=f32)
                  + b2u_ref[...], g2u_ref[...], be2u_ref[...])
    hb = _bn_relu(jnp.dot(ob_ref[...], W1b_ref[...], preferred_element_type=f32)
                  + b1b_ref[...], g1b_ref[...], be1b_ref[...])
    hb = _bn_relu(jnp.dot(hb, W2b_ref[...], preferred_element_type=f32)
                  + b2b_ref[...], g2b_ref[...], be2b_ref[...])
    tc = (jnp.dot(hu, Wcu_ref[...], preferred_element_type=f32)
          + jnp.dot(hb, Wcb_ref[...], preferred_element_type=f32)
          + bc_ref[...])
    o_ref[...] = _bn_relu(tc, gc_ref[...], bec_ref[...])


def _mlp(ou, ob, W1u, b1u, g1u, be1u, W2u, b2u, g2u, be2u,
         W1b, b1b, g1b, be1b, W2b, b2b, g2b, be2b, Wc, bc, gc, bec,
         interpret=False):
    return pl.pallas_call(
        _mlp_body,
        out_shape=jax.ShapeDtypeStruct((N, H), jnp.float32),
        compiler_params=pltpu.CompilerParams(
            vmem_limit_bytes=100 * 1024 * 1024),
        interpret=interpret,
    )(ou, ob, W1u, b1u, g1u, be1u, W2u, b2u, g2u, be2u,
      W1b, b1b, g1b, be1b, W2b, b2b, g2b, be2b,
      Wc[:H], Wc[H:], bc, gc, bec)


def kernel(x, up_index, boundary_index,
           W1u, b1u, g1u, be1u, W2u, b2u, g2u, be2u,
           W1b, b1b, g1b, be1b, W2b, b2b, g2b, be2b,
           Wc, bc, gc, bec):
    pad = ((0, 0), (0, 0), (0, EPTP - EPT))
    src = jnp.pad(jnp.stack([up_index[0], boundary_index[0]]
                            ).reshape(NC, NT, EPT), pad)
    dst = jnp.stack([up_index[1], boundary_index[1]]).reshape(NC, NT, EPT)
    tile_trash = jnp.arange(NT, dtype=jnp.int32)[None, :, None]
    d0 = jnp.pad(jnp.where(dst < R0, dst, R0 + tile_trash), pad,
                 constant_values=R0)
    d1 = jnp.pad(jnp.where(dst >= R0, dst - R0, R1 + tile_trash), pad,
                 constant_values=R1)
    idx = jnp.stack([src, d0, d1], axis=1).reshape(NC, 3, NT, KITER, CHUNK)
    agg = _sc_aggregate()(x, idx)
    return _mlp(agg[0], agg[1],
                W1u, b1u, g1u, be1u, W2u, b2u, g2u, be2u,
                W1b, b1b, g1b, be1b, W2b, b2b, g2b, be2b,
                Wc, bc, gc, bec)

# --- scband reference (transcript-rebuilt; emitter-appended) ---
"""Pipeline reference for scband-sparse-invar-cinconv-56813827392273 (READ-ONLY COPY).

The authoritative reference and input builder live on the scoring server;
editing this copy changes nothing except your own understanding.
"""

import jax, jax.numpy as jnp
import numpy as np

N = 10000
E = 320000
D = 128
H = 128


def _bn(x, gamma, beta):
    m = jnp.mean(x, axis=0)
    v = jnp.var(x, axis=0)
    return gamma * (x - m) / jnp.sqrt(v + 1e-5) + beta


def setup_inputs(seed: int = 0) -> dict:
    key = jax.random.key(seed)
    ks = jax.random.split(key, 16)
    inp = {}
    inp['x'] = jax.random.normal(ks[0], (N, D), dtype=jnp.float32)
    inp['up_index'] = jax.random.randint(ks[1], (2, E), 0, N, dtype=jnp.int32)
    inp['boundary_index'] = jax.random.randint(ks[2], (2, E), 0, N, dtype=jnp.int32)
    # update_up_nn params: Linear(D,H), BN(H), ReLU, Linear(H,H), BN(H), ReLU
    inp['W1u'] = jax.random.normal(ks[3], (D, H), dtype=jnp.float32) * 0.05
    inp['b1u'] = jnp.zeros((H,), dtype=jnp.float32)
    inp['g1u'] = jnp.ones((H,), dtype=jnp.float32)
    inp['be1u'] = jnp.zeros((H,), dtype=jnp.float32)
    inp['W2u'] = jax.random.normal(ks[4], (H, H), dtype=jnp.float32) * 0.05
    inp['b2u'] = jnp.zeros((H,), dtype=jnp.float32)
    inp['g2u'] = jnp.ones((H,), dtype=jnp.float32)
    inp['be2u'] = jnp.zeros((H,), dtype=jnp.float32)
    # update_boundaries_nn params
    inp['W1b'] = jax.random.normal(ks[5], (D, H), dtype=jnp.float32) * 0.05
    inp['b1b'] = jnp.zeros((H,), dtype=jnp.float32)
    inp['g1b'] = jnp.ones((H,), dtype=jnp.float32)
    inp['be1b'] = jnp.zeros((H,), dtype=jnp.float32)
    inp['W2b'] = jax.random.normal(ks[6], (H, H), dtype=jnp.float32) * 0.05
    inp['b2b'] = jnp.zeros((H,), dtype=jnp.float32)
    inp['g2b'] = jnp.ones((H,), dtype=jnp.float32)
    inp['be2b'] = jnp.zeros((H,), dtype=jnp.float32)
    # combine_nn params: Linear(2H,H), BN(H), ReLU
    inp['Wc'] = jax.random.normal(ks[7], (2 * H, H), dtype=jnp.float32) * 0.05
    inp['bc'] = jnp.zeros((H,), dtype=jnp.float32)
    inp['gc'] = jnp.ones((H,), dtype=jnp.float32)
    inp['bec'] = jnp.zeros((H,), dtype=jnp.float32)
    return inp


def reference(x, up_index, boundary_index,
              W1u, b1u, g1u, be1u, W2u, b2u, g2u, be2u,
              W1b, b1b, g1b, be1b, W2b, b2b, g2b, be2b,
              Wc, bc, gc, bec):
    eps1 = 0.0
    eps2 = 0.0
    # up message: msg_up_nn is identity on x_j (use_coboundaries=False), GIN-style sum aggregation
    msg_up = x[up_index[0]]
    agg_up = jnp.zeros_like(x).at[up_index[1]].add(msg_up)
    out_up = agg_up + (1.0 + eps1) * x
    # boundary message: msg_boundaries_nn is identity, sum aggregation over boundary_index
    msg_b = x[boundary_index[0]]
    agg_b = jnp.zeros_like(x).at[boundary_index[1]].add(msg_b)
    out_b = agg_b + (1.0 + eps2) * x
    # update_up_nn
    h_up = jax.nn.relu(_bn(out_up @ W1u + b1u, g1u, be1u))
    h_up = jax.nn.relu(_bn(h_up @ W2u + b2u, g2u, be2u))
    # update_boundaries_nn
    h_b = jax.nn.relu(_bn(out_b @ W1b + b1b, g1b, be1b))
    h_b = jax.nn.relu(_bn(h_b @ W2b + b2b, g2b, be2b))
    # combine_nn
    comb = jnp.concatenate([h_up, h_b], axis=-1)
    out = jax.nn.relu(_bn(comb @ Wc + bc, gc, bec))
    return out

if __name__ == "__main__":
    import jax
    _d = setup_inputs()
    print(jax.jit(kernel)(*tuple(_d.values())))

</pallas_src>

<mosaic_0001>
#map = affine_map<(d0, d1) -> (0, 0)>
#map1 = affine_map<(d0, d1) -> (0, 0, 0, 0, 0)>
#map2 = affine_map<(d0, d1) -> (0, 0, 0)>
module attributes {stable_mosaic.version = 14 : i64} {
  func.func @_sc_body(%arg0: i32, %arg1: i32, %arg2: memref<10000x128xf32, #tpu.memory_space<hbm>>, %arg3: memref<2x3x16x210x96xi32, #tpu.memory_space<hbm>>, %arg4: memref<2x10000x128xf32, #tpu.memory_space<hbm>>, %arg5: memref<210x96xi32, #tpu.memory_space<vmem>>, %arg6: memref<210x96xi32, #tpu.memory_space<vmem>>, %arg7: memref<2x96x128xf32, #tpu.memory_space<vmem>>, %arg8: memref<5024x128xf32, #tpu.memory_space<vmem_shared>>, %arg9: memref<!tpu.dma_semaphore, #tpu.memory_space<semaphore_mem>>, %arg10: memref<!tpu.dma_semaphore, #tpu.memory_space<semaphore_mem>>) attributes {dimension_semantics = [#tpu.dimension_semantics<core_parallel>, #tpu.dimension_semantics<subcore_parallel>], iteration_bounds = array<i64: 2, 16>, scalar_prefetch = 0 : i64, scratch_operands = 6 : i64, tpu.core_type = #tpu.core_type<sc_vector_subcore>, window_params = [{transform_indices = #map}, {transform_indices = #map1}, {transform_indices = #map2}]} {
    %run_scoped3A = arith.constant 0 : i32
    "tpu.region"() ({
      %run_scoped3A_148 = tpu.sem_alloc : memref<!tpu.dma_semaphore, #tpu.memory_space<semaphore_mem>>
      %dma_start3A_149 = arith.constant 0 : i32
      %dma_start3A_150 = arith.constant 0 : i32
      %dma_start3A_151 = tpu.memref_slice %arg3[%arg0, %run_scoped3A, %arg1, %dma_start3A_149, %dma_start3A_150] : memref<2x3x16x210x96xi32, #tpu.memory_space<hbm>> -> memref<1x1x1x210x96xi32, #tpu.memory_space<hbm>>
      %dma_start3A_152 = tpu.memref_squeeze %dma_start3A_151 : memref<1x1x1x210x96xi32, #tpu.memory_space<hbm>> -> memref<210x96xi32, #tpu.memory_space<hbm>>
      %dma_start3A_153 = arith.constant 0 : i32
      %dma_start3A_154 = arith.constant 0 : i32
      %dma_start3A_155 = tpu.memref_slice %arg3[%arg0, %run_scoped3A, %arg1, %dma_start3A_153, %dma_start3A_154] : memref<2x3x16x210x96xi32, #tpu.memory_space<hbm>> -> memref<1x1x1x210x96xi32, #tpu.memory_space<hbm>>
      %dma_start3A_156 = tpu.memref_squeeze %dma_start3A_155 : memref<1x1x1x210x96xi32, #tpu.memory_space<hbm>> -> memref<210x96xi32, #tpu.memory_space<hbm>>
      tpu.enqueue_dma source(%dma_start3A_156 : memref<210x96xi32, #tpu.memory_space<hbm>>) target(%arg5 : memref<210x96xi32, #tpu.memory_space<vmem>>) target_semaphore(%run_scoped3A_148 : memref<!tpu.dma_semaphore, #tpu.memory_space<semaphore_mem>>)
      %dma_wait3A_157 = arith.constant 0 : i32
      %dma_wait3A_158 = arith.constant 0 : i32
      %dma_wait3A_159 = tpu.memref_slice %arg3[%arg0, %run_scoped3A, %arg1, %dma_wait3A_157, %dma_wait3A_158] : memref<2x3x16x210x96xi32, #tpu.memory_space<hbm>> -> memref<1x1x1x210x96xi32, #tpu.memory_space<hbm>>
      %dma_wait3A_160 = tpu.memref_squeeze %dma_wait3A_159 : memref<1x1x1x210x96xi32, #tpu.memory_space<hbm>> -> memref<210x96xi32, #tpu.memory_space<hbm>>
      %dma_wait3A_161 = arith.constant 0 : i32
      %dma_wait3A_162 = arith.constant 0 : i32
      %dma_wait3A_163 = tpu.memref_slice %arg3[%arg0, %run_scoped3A, %arg1, %dma_wait3A_161, %dma_wait3A_162] : memref<2x3x16x210x96xi32, #tpu.memory_space<hbm>> -> memref<1x1x1x210x96xi32, #tpu.memory_space<hbm>>
      %dma_wait3A_164 = tpu.memref_squeeze %dma_wait3A_163 : memref<1x1x1x210x96xi32, #tpu.memory_space<hbm>> -> memref<210x96xi32, #tpu.memory_space<hbm>>
      tpu.wait_dma2 semaphore(%run_scoped3A_148 : memref<!tpu.dma_semaphore, #tpu.memory_space<semaphore_mem>>) src(%dma_wait3A_164 : memref<210x96xi32, #tpu.memory_space<hbm>>) dst(%arg5 : memref<210x96xi32, #tpu.memory_space<vmem>>)
      tpu.yield
    }) : () -> ()
    %lt3A = arith.constant 15 : i32
    %lt3A_0 = arith.cmpi slt, %arg1, %lt3A : i32
    %convert_element_type3A = arith.extui %lt3A_0 : i1 to i32
    %cond3A = arith.constant 0 : i32
    %cond3A_1 = arith.cmpi ne, %convert_element_type3A, %cond3A : i32
    scf.if %cond3A_1 {
      %mul3A = arith.constant 320 : i32
      %mul3A_148 = arith.muli %arg1, %mul3A : i32
      %add3A = arith.constant 0 : i32
      %add3A_149 = arith.addi %add3A, %mul3A_148 : i32
      %mul3A_150 = arith.constant 320 : i32
      %mul3A_151 = arith.muli %arg1, %mul3A_150 : i32
      "tpu.region"() ({
        %run_scoped3A_152 = tpu.sem_alloc : memref<!tpu.dma_semaphore, #tpu.memory_space<semaphore_mem>>
        %dma_start3A_153 = arith.constant 0 : i32
        %dma_start3A_154 = tpu.memref_slice %arg8[%mul3A_151, %dma_start3A_153] : memref<5024x128xf32, #tpu.memory_space<vmem_shared>> -> memref<320x128xf32, #tpu.memory_space<vmem_shared>>
        %dma_start3A_155 = arith.constant 0 : i32
        %dma_start3A_156 = tpu.memref_slice %arg2[%add3A_149, %dma_start3A_155] : memref<10000x128xf32, #tpu.memory_space<hbm>> -> memref<320x128xf32, #tpu.memory_space<hbm>>
        tpu.enqueue_dma source(%dma_start3A_156 : memref<320x128xf32, #tpu.memory_space<hbm>>) target(%dma_start3A_154 : memref<320x128xf32, #tpu.memory_space<vmem_shared>>) target_semaphore(%run_scoped3A_152 : memref<!tpu.dma_semaphore, #tpu.memory_space<semaphore_mem>>)
        %dma_wait3A_157 = arith.constant 0 : i32
        %dma_wait3A_158 = tpu.memref_slice %arg8[%mul3A_151, %dma_wait3A_157] : memref<5024x128xf32, #tpu.memory_space<vmem_shared>> -> memref<320x128xf32, #tpu.memory_space<vmem_shared>>
        %dma_wait3A_159 = arith.constant 0 : i32
        %dma_wait3A_160 = tpu.memref_slice %arg2[%add3A_149, %dma_wait3A_159] : memref<10000x128xf32, #tpu.memory_space<hbm>> -> memref<320x128xf32, #tpu.memory_space<hbm>>
        tpu.wait_dma2 semaphore(%run_scoped3A_152 : memref<!tpu.dma_semaphore, #tpu.memory_space<semaphore_mem>>) src(%dma_wait3A_160 : memref<320x128xf32, #tpu.memory_space<hbm>>) dst(%dma_wait3A_158 : memref<320x128xf32, #tpu.memory_space<vmem_shared>>)
        tpu.yield
      }) : () -> ()
    } else {
    }
    %eq3A = arith.constant 15 : i32
    %eq3A_2 = arith.cmpi eq, %arg1, %eq3A : i32
    %convert_element_type3A_3 = arith.extui %eq3A_2 : i1 to i32
    %cond3A_4 = arith.constant 0 : i32
    %cond3A_5 = arith.cmpi ne, %convert_element_type3A_3, %cond3A_4 : i32
    scf.if %cond3A_5 {
      "tpu.region"() ({
        %run_scoped3A_148 = tpu.sem_alloc : memref<!tpu.dma_semaphore, #tpu.memory_space<semaphore_mem>>
        %dma_start3A_149 = arith.constant 4800 : i32
        %dma_start3A_150 = arith.constant 0 : i32
        %dma_start3A_151 = tpu.memref_slice %arg8[%dma_start3A_149, %dma_start3A_150] : memref<5024x128xf32, #tpu.memory_space<vmem_shared>> -> memref<208x128xf32, #tpu.memory_space<vmem_shared>>
        %dma_start3A_152 = arith.constant 4800 : i32
        %dma_start3A_153 = arith.constant 0 : i32
        %dma_start3A_154 = tpu.memref_slice %arg2[%dma_start3A_152, %dma_start3A_153] : memref<10000x128xf32, #tpu.memory_space<hbm>> -> memref<208x128xf32, #tpu.memory_space<hbm>>
        tpu.enqueue_dma source(%dma_start3A_154 : memref<208x128xf32, #tpu.memory_space<hbm>>) target(%dma_start3A_151 : memref<208x128xf32, #tpu.memory_space<vmem_shared>>) target_semaphore(%run_scoped3A_148 : memref<!tpu.dma_semaphore, #tpu.memory_space<semaphore_mem>>)
        %dma_wait3A_155 = arith.constant 4800 : i32
        %dma_wait3A_156 = arith.constant 0 : i32
        %dma_wait3A_157 = tpu.memref_slice %arg8[%dma_wait3A_155, %dma_wait3A_156] : memref<5024x128xf32, #tpu.memory_space<vmem_shared>> -> memref<208x128xf32, #tpu.memory_space<vmem_shared>>
        %dma_wait3A_158 = arith.constant 4800 : i32
        %dma_wait3A_159 = arith.constant 0 : i32
        %dma_wait3A_160 = tpu.memref_slice %arg2[%dma_wait3A_158, %dma_wait3A_159] : memref<10000x128xf32, #tpu.memory_space<hbm>> -> memref<208x128xf32, #tpu.memory_space<hbm>>
        tpu.wait_dma2 semaphore(%run_scoped3A_148 : memref<!tpu.dma_semaphore, #tpu.memory_space<semaphore_mem>>) src(%dma_wait3A_160 : memref<208x128xf32, #tpu.memory_space<hbm>>) dst(%dma_wait3A_157 : memref<208x128xf32, #tpu.memory_space<vmem_shared>>)
        tpu.yield
      }) : () -> ()
    } else {
    }
    %run_scoped3A_6 = arith.constant 1 : i32
    "tpu.region"() ({
      %run_scoped3A_148 = tpu.sem_alloc : memref<!tpu.dma_semaphore, #tpu.memory_space<semaphore_mem>>
      %dma_start3A_149 = arith.constant 0 : i32
      %dma_start3A_150 = arith.constant 0 : i32
      %dma_start3A_151 = tpu.memref_slice %arg3[%arg0, %run_scoped3A_6, %arg1, %dma_start3A_149, %dma_start3A_150] : memref<2x3x16x210x96xi32, #tpu.memory_space<hbm>> -> memref<1x1x1x210x96xi32, #tpu.memory_space<hbm>>
      %dma_start3A_152 = tpu.memref_squeeze %dma_start3A_151 : memref<1x1x1x210x96xi32, #tpu.memory_space<hbm>> -> memref<210x96xi32, #tpu.memory_space<hbm>>
      %dma_start3A_153 = arith.constant 0 : i32
      %dma_start3A_154 = arith.constant 0 : i32
      %dma_start3A_155 = tpu.memref_slice %arg3[%arg0, %run_scoped3A_6, %arg1, %dma_start3A_153, %dma_start3A_154] : memref<2x3x16x210x96xi32, #tpu.memory_space<hbm>> -> memref<1x1x1x210x96xi32, #tpu.memory_space<hbm>>
      %dma_start3A_156 = tpu.memref_squeeze %dma_start3A_155 : memref<1x1x1x210x96xi32, #tpu.memory_space<hbm>> -> memref<210x96xi32, #tpu.memory_space<hbm>>
      tpu.enqueue_dma source(%dma_start3A_156 : memref<210x96xi32, #tpu.memory_space<hbm>>) target(%arg6 : memref<210x96xi32, #tpu.memory_space<vmem>>) target_semaphore(%run_scoped3A_148 : memref<!tpu.dma_semaphore, #tpu.memory_space<semaphore_mem>>)
      %dma_wait3A_157 = arith.constant 0 : i32
      %dma_wait3A_158 = arith.constant 0 : i32
      %dma_wait3A_159 = tpu.memref_slice %arg3[%arg0, %run_scoped3A_6, %arg1, %dma_wait3A_157, %dma_wait3A_158] : memref<2x3x16x210x96xi32, #tpu.memory_space<hbm>> -> memref<1x1x1x210x96xi32, #tpu.memory_space<hbm>>
      %dma_wait3A_160 = tpu.memref_squeeze %dma_wait3A_159 : memref<1x1x1x210x96xi32, #tpu.memory_space<hbm>> -> memref<210x96xi32, #tpu.memory_space<hbm>>
      %dma_wait3A_161 = arith.constant 0 : i32
      %dma_wait3A_162 = arith.constant 0 : i32
      %dma_wait3A_163 = tpu.memref_slice %arg3[%arg0, %run_scoped3A_6, %arg1, %dma_wait3A_161, %dma_wait3A_162] : memref<2x3x16x210x96xi32, #tpu.memory_space<hbm>> -> memref<1x1x1x210x96xi32, #tpu.memory_space<hbm>>
      %dma_wait3A_164 = tpu.memref_squeeze %dma_wait3A_163 : memref<1x1x1x210x96xi32, #tpu.memory_space<hbm>> -> memref<210x96xi32, #tpu.memory_space<hbm>>
      tpu.wait_dma2 semaphore(%run_scoped3A_148 : memref<!tpu.dma_semaphore, #tpu.memory_space<semaphore_mem>>) src(%dma_wait3A_164 : memref<210x96xi32, #tpu.memory_space<hbm>>) dst(%arg6 : memref<210x96xi32, #tpu.memory_space<vmem>>)
      tpu.yield
    }) : () -> ()
    %barrier3A = arith.constant 0 : index
    tpu.barrier barrier_id(%barrier3A)
    %dma_start3A = arith.constant 0 : i32
    %dma_start3A_7 = arith.constant 0 : i32
    %dma_start3A_8 = arith.constant 0 : i32
    %dma_start3A_9 = arith.constant 0 : i32
    %dma_start3A_10 = tpu.memref_slice %arg7[%dma_start3A_7, %dma_start3A_8, %dma_start3A_9] : memref<2x96x128xf32, #tpu.memory_space<vmem>> -> memref<1x96x128xf32, #tpu.memory_space<vmem>>
    %dma_start3A_11 = tpu.memref_squeeze %dma_start3A_10 : memref<1x96x128xf32, #tpu.memory_space<vmem>> -> memref<96x128xf32, #tpu.memory_space<vmem>>
    %dma_start3A_12 = arith.constant 0 : i32
    %dma_start3A_13 = tpu.memref_slice %arg5[%dma_start3A, %dma_start3A_12] : memref<210x96xi32, #tpu.memory_space<vmem>> -> memref<1x96xi32, #tpu.memory_space<vmem>>
    %dma_start3A_14 = tpu.memref_squeeze %dma_start3A_13 : memref<1x96xi32, #tpu.memory_space<vmem>> -> memref<96xi32, #tpu.memory_space<vmem>>
    %dma_start3A_15 = arith.constant 0 : i32
    %dma_start3A_16 = arith.constant 0 : i32
    %dma_start3A_17 = tpu.memref_slice %arg2[%dma_start3A_15, %dma_start3A_16] : memref<10000x128xf32, #tpu.memory_space<hbm>> -> memref<10000x128xf32, #tpu.memory_space<hbm>>
    tpu.enqueue_indirect_dma source(%dma_start3A_17 : memref<10000x128xf32, #tpu.memory_space<hbm>>) target(%dma_start3A_11 : memref<96x128xf32, #tpu.memory_space<vmem>>) offsets(%dma_start3A_14 : memref<96xi32, #tpu.memory_space<vmem>>) semaphore(%arg9 : memref<!tpu.dma_semaphore, #tpu.memory_space<semaphore_mem>>)
    %dma_start3A_18 = arith.constant 1 : i32
    %dma_start3A_19 = arith.constant 1 : i32
    %dma_start3A_20 = arith.constant 0 : i32
    %dma_start3A_21 = arith.constant 0 : i32
    %dma_start3A_22 = tpu.memref_slice %arg7[%dma_start3A_19, %dma_start3A_20, %dma_start3A_21] : memref<2x96x128xf32, #tpu.memory_space<vmem>> -> memref<1x96x128xf32, #tpu.memory_space<vmem>>
    %dma_start3A_23 = tpu.memref_squeeze %dma_start3A_22 : memref<1x96x128xf32, #tpu.memory_space<vmem>> -> memref<96x128xf32, #tpu.memory_space<vmem>>
    %dma_start3A_24 = arith.constant 0 : i32
    %dma_start3A_25 = tpu.memref_slice %arg5[%dma_start3A_18, %dma_start3A_24] : memref<210x96xi32, #tpu.memory_space<vmem>> -> memref<1x96xi32, #tpu.memory_space<vmem>>
    %dma_start3A_26 = tpu.memref_squeeze %dma_start3A_25 : memref<1x96xi32, #tpu.memory_space<vmem>> -> memref<96xi32, #tpu.memory_space<vmem>>
    %dma_start3A_27 = arith.constant 0 : i32
    %dma_start3A_28 = arith.constant 0 : i32
    %dma_start3A_29 = tpu.memref_slice %arg2[%dma_start3A_27, %dma_start3A_28] : memref<10000x128xf32, #tpu.memory_space<hbm>> -> memref<10000x128xf32, #tpu.memory_space<hbm>>
    tpu.enqueue_indirect_dma source(%dma_start3A_29 : memref<10000x128xf32, #tpu.memory_space<hbm>>) target(%dma_start3A_23 : memref<96x128xf32, #tpu.memory_space<vmem>>) offsets(%dma_start3A_26 : memref<96xi32, #tpu.memory_space<vmem>>) semaphore(%arg10 : memref<!tpu.dma_semaphore, #tpu.memory_space<semaphore_mem>>)
    %scan3A = arith.constant 0 : i32
    %scan3A_30 = arith.constant 0 : i32
    %scan3A_31 = arith.constant 105 : i32
    %scan3A_32 = arith.addi %scan3A_30, %scan3A_31 : i32
    %scan3A_33 = arith.constant 1 : i32
    scf.for %scan3A_148 = %scan3A_30 to %scan3A_32 step %scan3A_33  : i32 {
      %mul3A = arith.constant 2 : i32
      %mul3A_149 = arith.muli %mul3A, %scan3A_148 : i32
      %add3A = arith.constant 0 : i32
      %add3A_150 = arith.addi %mul3A_149, %add3A : i32
      %dma_wait3A_151 = arith.constant 0 : i32
      %dma_wait3A_152 = arith.constant 0 : i32
      %dma_wait3A_153 = arith.constant 0 : i32
      %dma_wait3A_154 = tpu.memref_slice %arg7[%dma_wait3A_151, %dma_wait3A_152, %dma_wait3A_153] : memref<2x96x128xf32, #tpu.memory_space<vmem>> -> memref<1x96x128xf32, #tpu.memory_space<vmem>>
      %dma_wait3A_155 = tpu.memref_squeeze %dma_wait3A_154 : memref<1x96x128xf32, #tpu.memory_space<vmem>> -> memref<96x128xf32, #tpu.memory_space<vmem>>
      %dma_wait3A_156 = arith.constant 0 : i32
      %dma_wait3A_157 = tpu.memref_slice %arg5[%add3A_150, %dma_wait3A_156] : memref<210x96xi32, #tpu.memory_space<vmem>> -> memref<1x96xi32, #tpu.memory_space<vmem>>
      %dma_wait3A_158 = tpu.memref_squeeze %dma_wait3A_157 : memref<1x96xi32, #tpu.memory_space<vmem>> -> memref<96xi32, #tpu.memory_space<vmem>>
      %dma_wait3A_159 = arith.constant 0 : i32
      %dma_wait3A_160 = arith.constant 0 : i32
      %dma_wait3A_161 = tpu.memref_slice %arg2[%dma_wait3A_159, %dma_wait3A_160] : memref<10000x128xf32, #tpu.memory_space<hbm>> -> memref<10000x128xf32, #tpu.memory_space<hbm>>
      tpu.wait_indirect_dma semaphore(%arg9 : memref<!tpu.dma_semaphore, #tpu.memory_space<semaphore_mem>>) src(%dma_wait3A_161 : memref<10000x128xf32, #tpu.memory_space<hbm>>) dst(%dma_wait3A_155 : memref<96x128xf32, #tpu.memory_space<vmem>>)
      %run_scoped3A_162 = arith.constant 0 : i32
      "tpu.region"() ({
        %run_scoped3A_208 = tpu.sem_alloc : memref<!tpu.dma_semaphore, #tpu.memory_space<semaphore_mem>>
        %dma_start3A_209 = arith.constant 0 : i32
        %dma_start3A_210 = arith.constant 0 : i32
        %dma_start3A_211 = tpu.memref_slice %arg7[%run_scoped3A_162, %dma_start3A_209, %dma_start3A_210] : memref<2x96x128xf32, #tpu.memory_space<vmem>> -> memref<1x96x128xf32, #tpu.memory_space<vmem>>
        %dma_start3A_212 = tpu.memref_squeeze %dma_start3A_211 : memref<1x96x128xf32, #tpu.memory_space<vmem>> -> memref<96x128xf32, #tpu.memory_space<vmem>>
        %dma_start3A_213 = arith.constant 0 : i32
        %dma_start3A_214 = tpu.memref_slice %arg6[%add3A_150, %dma_start3A_213] : memref<210x96xi32, #tpu.memory_space<vmem>> -> memref<1x96xi32, #tpu.memory_space<vmem>>
        %dma_start3A_215 = tpu.memref_squeeze %dma_start3A_214 : memref<1x96xi32, #tpu.memory_space<vmem>> -> memref<96xi32, #tpu.memory_space<vmem>>
        %dma_start3A_216 = arith.constant 0 : i32
        %dma_start3A_217 = arith.constant 0 : i32
        %dma_start3A_218 = tpu.memref_slice %arg8[%dma_start3A_216, %dma_start3A_217] : memref<5024x128xf32, #tpu.memory_space<vmem_shared>> -> memref<5024x128xf32, #tpu.memory_space<vmem_shared>>
        tpu.enqueue_indirect_dma source(%dma_start3A_212 : memref<96x128xf32, #tpu.memory_space<vmem>>) target(%dma_start3A_218 : memref<5024x128xf32, #tpu.memory_space<vmem_shared>>) offsets(%dma_start3A_215 : memref<96xi32, #tpu.memory_space<vmem>>) semaphore(%run_scoped3A_208 : memref<!tpu.dma_semaphore, #tpu.memory_space<semaphore_mem>>) {add = true}
        %dma_wait3A_219 = arith.constant 0 : i32
        %dma_wait3A_220 = arith.constant 0 : i32
        %dma_wait3A_221 = tpu.memref_slice %arg7[%run_scoped3A_162, %dma_wait3A_219, %dma_wait3A_220] : memref<2x96x128xf32, #tpu.memory_space<vmem>> -> memref<1x96x128xf32, #tpu.memory_space<vmem>>
        %dma_wait3A_222 = tpu.memref_squeeze %dma_wait3A_221 : memref<1x96x128xf32, #tpu.memory_space<vmem>> -> memref<96x128xf32, #tpu.memory_space<vmem>>
        %dma_wait3A_223 = arith.constant 0 : i32
        %dma_wait3A_224 = tpu.memref_slice %arg6[%add3A_150, %dma_wait3A_223] : memref<210x96xi32, #tpu.memory_space<vmem>> -> memref<1x96xi32, #tpu.memory_space<vmem>>
        %dma_wait3A_225 = tpu.memref_squeeze %dma_wait3A_224 : memref<1x96xi32, #tpu.memory_space<vmem>> -> memref<96xi32, #tpu.memory_space<vmem>>
        %dma_wait3A_226 = arith.constant 0 : i32
        %dma_wait3A_227 = arith.constant 0 : i32
        %dma_wait3A_228 = tpu.memref_slice %arg8[%dma_wait3A_226, %dma_wait3A_227] : memref<5024x128xf32, #tpu.memory_space<vmem_shared>> -> memref<5024x128xf32, #tpu.memory_space<vmem_shared>>
        tpu.wait_indirect_dma semaphore(%run_scoped3A_208 : memref<!tpu.dma_semaphore, #tpu.memory_space<semaphore_mem>>) src(%dma_wait3A_222 : memref<96x128xf32, #tpu.memory_space<vmem>>) dst(%dma_wait3A_228 : memref<5024x128xf32, #tpu.memory_space<vmem_shared>>)
        tpu.yield
      }) : () -> ()
      %add3A_163 = arith.constant 2 : i32
      %add3A_164 = arith.addi %add3A_150, %add3A_163 : i32
      %min3A = arith.constant 209 : i32
      %min3A_165 = arith.minsi %add3A_164, %min3A : i32
      %dma_start3A_166 = arith.constant 0 : i32
      %dma_start3A_167 = arith.constant 0 : i32
      %dma_start3A_168 = arith.constant 0 : i32
      %dma_start3A_169 = tpu.memref_slice %arg7[%dma_start3A_166, %dma_start3A_167, %dma_start3A_168] : memref<2x96x128xf32, #tpu.memory_space<vmem>> -> memref<1x96x128xf32, #tpu.memory_space<vmem>>
      %dma_start3A_170 = tpu.memref_squeeze %dma_start3A_169 : memref<1x96x128xf32, #tpu.memory_space<vmem>> -> memref<96x128xf32, #tpu.memory_space<vmem>>
      %dma_start3A_171 = arith.constant 0 : i32
      %dma_start3A_172 = tpu.memref_slice %arg5[%min3A_165, %dma_start3A_171] : memref<210x96xi32, #tpu.memory_space<vmem>> -> memref<1x96xi32, #tpu.memory_space<vmem>>
      %dma_start3A_173 = tpu.memref_squeeze %dma_start3A_172 : memref<1x96xi32, #tpu.memory_space<vmem>> -> memref<96xi32, #tpu.memory_space<vmem>>
      %dma_start3A_174 = arith.constant 0 : i32
      %dma_start3A_175 = arith.constant 0 : i32
      %dma_start3A_176 = tpu.memref_slice %arg2[%dma_start3A_174, %dma_start3A_175] : memref<10000x128xf32, #tpu.memory_space<hbm>> -> memref<10000x128xf32, #tpu.memory_space<hbm>>
      tpu.enqueue_indirect_dma source(%dma_start3A_176 : memref<10000x128xf32, #tpu.memory_space<hbm>>) target(%dma_start3A_170 : memref<96x128xf32, #tpu.memory_space<vmem>>) offsets(%dma_start3A_173 : memref<96xi32, #tpu.memory_space<vmem>>) semaphore(%arg9 : memref<!tpu.dma_semaphore, #tpu.memory_space<semaphore_mem>>)
      %mul3A_177 = arith.constant 2 : i32
      %mul3A_178 = arith.muli %mul3A_177, %scan3A_148 : i32
      %add3A_179 = arith.constant 1 : i32
      %add3A_180 = arith.addi %mul3A_178, %add3A_179 : i32
      %dma_wait3A_181 = arith.constant 1 : i32
      %dma_wait3A_182 = arith.constant 0 : i32
      %dma_wait3A_183 = arith.constant 0 : i32
      %dma_wait3A_184 = tpu.memref_slice %arg7[%dma_wait3A_181, %dma_wait3A_182, %dma_wait3A_183] : memref<2x96x128xf32, #tpu.memory_space<vmem>> -> memref<1x96x128xf32, #tpu.memory_space<vmem>>
      %dma_wait3A_185 = tpu.memref_squeeze %dma_wait3A_184 : memref<1x96x128xf32, #tpu.memory_space<vmem>> -> memref<96x128xf32, #tpu.memory_space<vmem>>
      %dma_wait3A_186 = arith.constant 0 : i32
      %dma_wait3A_187 = tpu.memref_slice %arg5[%add3A_180, %dma_wait3A_186] : memref<210x96xi32, #tpu.memory_space<vmem>> -> memref<1x96xi32, #tpu.memory_space<vmem>>
      %dma_wait3A_188 = tpu.memref_squeeze %dma_wait3A_187 : memref<1x96xi32, #tpu.memory_space<vmem>> -> memref<96xi32, #tpu.memory_space<vmem>>
      %dma_wait3A_189 = arith.constant 0 : i32
      %dma_wait3A_190 = arith.constant 0 : i32
      %dma_wait3A_191 = tpu.memref_slice %arg2[%dma_wait3A_189, %dma_wait3A_190] : memref<10000x128xf32, #tpu.memory_space<hbm>> -> memref<10000x128xf32, #tpu.memory_space<hbm>>
      tpu.wait_indirect_dma semaphore(%arg10 : memref<!tpu.dma_semaphore, #tpu.memory_space<semaphore_mem>>) src(%dma_wait3A_191 : memref<10000x128xf32, #tpu.memory_space<hbm>>) dst(%dma_wait3A_185 : memref<96x128xf32, #tpu.memory_space<vmem>>)
      %run_scoped3A_192 = arith.constant 1 : i32
      "tpu.region"() ({
        %run_scoped3A_208 = tpu.sem_alloc : memref<!tpu.dma_semaphore, #tpu.memory_space<semaphore_mem>>
        %dma_start3A_209 = arith.constant 0 : i32
        %dma_start3A_210 = arith.constant 0 : i32
        %dma_start3A_211 = tpu.memref_slice %arg7[%run_scoped3A_192, %dma_start3A_209, %dma_start3A_210] : memref<2x96x128xf32, #tpu.memory_space<vmem>> -> memref<1x96x128xf32, #tpu.memory_space<vmem>>
        %dma_start3A_212 = tpu.memref_squeeze %dma_start3A_211 : memref<1x96x128xf32, #tpu.memory_space<vmem>> -> memref<96x128xf32, #tpu.memory_space<vmem>>
        %dma_start3A_213 = arith.constant 0 : i32
        %dma_start3A_214 = tpu.memref_slice %arg6[%add3A_180, %dma_start3A_213] : memref<210x96xi32, #tpu.memory_space<vmem>> -> memref<1x96xi32, #tpu.memory_space<vmem>>
        %dma_start3A_215 = tpu.memref_squeeze %dma_start3A_214 : memref<1x96xi32, #tpu.memory_space<vmem>> -> memref<96xi32, #tpu.memory_space<vmem>>
        %dma_start3A_216 = arith.constant 0 : i32
        %dma_start3A_217 = arith.constant 0 : i32
        %dma_start3A_218 = tpu.memref_slice %arg8[%dma_start3A_216, %dma_start3A_217] : memref<5024x128xf32, #tpu.memory_space<vmem_shared>> -> memref<5024x128xf32, #tpu.memory_space<vmem_shared>>
        tpu.enqueue_indirect_dma source(%dma_start3A_212 : memref<96x128xf32, #tpu.memory_space<vmem>>) target(%dma_start3A_218 : memref<5024x128xf32, #tpu.memory_space<vmem_shared>>) offsets(%dma_start3A_215 : memref<96xi32, #tpu.memory_space<vmem>>) semaphore(%run_scoped3A_208 : memref<!tpu.dma_semaphore, #tpu.memory_space<semaphore_mem>>) {add = true}
        %dma_wait3A_219 = arith.constant 0 : i32
        %dma_wait3A_220 = arith.constant 0 : i32
        %dma_wait3A_221 = tpu.memref_slice %arg7[%run_scoped3A_192, %dma_wait3A_219, %dma_wait3A_220] : memref<2x96x128xf32, #tpu.memory_space<vmem>> -> memref<1x96x128xf32, #tpu.memory_space<vmem>>
        %dma_wait3A_222 = tpu.memref_squeeze %dma_wait3A_221 : memref<1x96x128xf32, #tpu.memory_space<vmem>> -> memref<96x128xf32, #tpu.memory_space<vmem>>
        %dma_wait3A_223 = arith.constant 0 : i32
        %dma_wait3A_224 = tpu.memref_slice %arg6[%add3A_180, %dma_wait3A_223] : memref<210x96xi32, #tpu.memory_space<vmem>> -> memref<1x96xi32, #tpu.memory_space<vmem>>
        %dma_wait3A_225 = tpu.memref_squeeze %dma_wait3A_224 : memref<1x96xi32, #tpu.memory_space<vmem>> -> memref<96xi32, #tpu.memory_space<vmem>>
        %dma_wait3A_226 = arith.constant 0 : i32
        %dma_wait3A_227 = arith.constant 0 : i32
        %dma_wait3A_228 = tpu.memref_slice %arg8[%dma_wait3A_226, %dma_wait3A_227] : memref<5024x128xf32, #tpu.memory_space<vmem_shared>> -> memref<5024x128xf32, #tpu.memory_space<vmem_shared>>
        tpu.wait_indirect_dma semaphore(%run_scoped3A_208 : memref<!tpu.dma_semaphore, #tpu.memory_space<semaphore_mem>>) src(%dma_wait3A_222 : memref<96x128xf32, #tpu.memory_space<vmem>>) dst(%dma_wait3A_228 : memref<5024x128xf32, #tpu.memory_space<vmem_shared>>)
        tpu.yield
      }) : () -> ()
      %add3A_193 = arith.constant 2 : i32
      %add3A_194 = arith.addi %add3A_180, %add3A_193 : i32
      %min3A_195 = arith.constant 209 : i32
      %min3A_196 = arith.minsi %add3A_194, %min3A_195 : i32
      %dma_start3A_197 = arith.constant 1 : i32
      %dma_start3A_198 = arith.constant 0 : i32
      %dma_start3A_199 = arith.constant 0 : i32
      %dma_start3A_200 = tpu.memref_slice %arg7[%dma_start3A_197, %dma_start3A_198, %dma_start3A_199] : memref<2x96x128xf32, #tpu.memory_space<vmem>> -> memref<1x96x128xf32, #tpu.memory_space<vmem>>
      %dma_start3A_201 = tpu.memref_squeeze %dma_start3A_200 : memref<1x96x128xf32, #tpu.memory_space<vmem>> -> memref<96x128xf32, #tpu.memory_space<vmem>>
      %dma_start3A_202 = arith.constant 0 : i32
      %dma_start3A_203 = tpu.memref_slice %arg5[%min3A_196, %dma_start3A_202] : memref<210x96xi32, #tpu.memory_space<vmem>> -> memref<1x96xi32, #tpu.memory_space<vmem>>
      %dma_start3A_204 = tpu.memref_squeeze %dma_start3A_203 : memref<1x96xi32, #tpu.memory_space<vmem>> -> memref<96xi32, #tpu.memory_space<vmem>>
      %dma_start3A_205 = arith.constant 0 : i32
      %dma_start3A_206 = arith.constant 0 : i32
      %dma_start3A_207 = tpu.memref_slice %arg2[%dma_start3A_205, %dma_start3A_206] : memref<10000x128xf32, #tpu.memory_space<hbm>> -> memref<10000x128xf32, #tpu.memory_space<hbm>>
      tpu.enqueue_indirect_dma source(%dma_start3A_207 : memref<10000x128xf32, #tpu.memory_space<hbm>>) target(%dma_start3A_201 : memref<96x128xf32, #tpu.memory_space<vmem>>) offsets(%dma_start3A_204 : memref<96xi32, #tpu.memory_space<vmem>>) semaphore(%arg10 : memref<!tpu.dma_semaphore, #tpu.memory_space<semaphore_mem>>)
    }
    %scan3A_34 = arith.constant 105 : i32
    %dma_wait3A = arith.constant 209 : i32
    %dma_wait3A_35 = arith.constant 0 : i32
    %dma_wait3A_36 = arith.constant 0 : i32
    %dma_wait3A_37 = arith.constant 0 : i32
    %dma_wait3A_38 = tpu.memref_slice %arg7[%dma_wait3A_35, %dma_wait3A_36, %dma_wait3A_37] : memref<2x96x128xf32, #tpu.memory_space<vmem>> -> memref<1x96x128xf32, #tpu.memory_space<vmem>>
    %dma_wait3A_39 = tpu.memref_squeeze %dma_wait3A_38 : memref<1x96x128xf32, #tpu.memory_space<vmem>> -> memref<96x128xf32, #tpu.memory_space<vmem>>
    %dma_wait3A_40 = arith.constant 0 : i32
    %dma_wait3A_41 = tpu.memref_slice %arg5[%dma_wait3A, %dma_wait3A_40] : memref<210x96xi32, #tpu.memory_space<vmem>> -> memref<1x96xi32, #tpu.memory_space<vmem>>
    %dma_wait3A_42 = tpu.memref_squeeze %dma_wait3A_41 : memref<1x96xi32, #tpu.memory_space<vmem>> -> memref<96xi32, #tpu.memory_space<vmem>>
    %dma_wait3A_43 = arith.constant 0 : i32
    %dma_wait3A_44 = arith.constant 0 : i32
    %dma_wait3A_45 = tpu.memref_slice %arg2[%dma_wait3A_43, %dma_wait3A_44] : memref<10000x128xf32, #tpu.memory_space<hbm>> -> memref<10000x128xf32, #tpu.memory_space<hbm>>
    tpu.wait_indirect_dma semaphore(%arg9 : memref<!tpu.dma_semaphore, #tpu.memory_space<semaphore_mem>>) src(%dma_wait3A_45 : memref<10000x128xf32, #tpu.memory_space<hbm>>) dst(%dma_wait3A_39 : memref<96x128xf32, #tpu.memory_space<vmem>>)
    %dma_wait3A_46 = arith.constant 209 : i32
    %dma_wait3A_47 = arith.constant 1 : i32
    %dma_wait3A_48 = arith.constant 0 : i32
    %dma_wait3A_49 = arith.constant 0 : i32
    %dma_wait3A_50 = tpu.memref_slice %arg7[%dma_wait3A_47, %dma_wait3A_48, %dma_wait3A_49] : memref<2x96x128xf32, #tpu.memory_space<vmem>> -> memref<1x96x128xf32, #tpu.memory_space<vmem>>
    %dma_wait3A_51 = tpu.memref_squeeze %dma_wait3A_50 : memref<1x96x128xf32, #tpu.memory_space<vmem>> -> memref<96x128xf32, #tpu.memory_space<vmem>>
    %dma_wait3A_52 = arith.constant 0 : i32
    %dma_wait3A_53 = tpu.memref_slice %arg5[%dma_wait3A_46, %dma_wait3A_52] : memref<210x96xi32, #tpu.memory_space<vmem>> -> memref<1x96xi32, #tpu.memory_space<vmem>>
    %dma_wait3A_54 = tpu.memref_squeeze %dma_wait3A_53 : memref<1x96xi32, #tpu.memory_space<vmem>> -> memref<96xi32, #tpu.memory_space<vmem>>
    %dma_wait3A_55 = arith.constant 0 : i32
    %dma_wait3A_56 = arith.constant 0 : i32
    %dma_wait3A_57 = tpu.memref_slice %arg2[%dma_wait3A_55, %dma_wait3A_56] : memref<10000x128xf32, #tpu.memory_space<hbm>> -> memref<10000x128xf32, #tpu.memory_space<hbm>>
    tpu.wait_indirect_dma semaphore(%arg10 : memref<!tpu.dma_semaphore, #tpu.memory_space<semaphore_mem>>) src(%dma_wait3A_57 : memref<10000x128xf32, #tpu.memory_space<hbm>>) dst(%dma_wait3A_51 : memref<96x128xf32, #tpu.memory_space<vmem>>)
    %barrier3A_58 = arith.constant 0 : index
    tpu.barrier barrier_id(%barrier3A_58)
    %lt3A_59 = arith.constant 15 : i32
    %lt3A_60 = arith.cmpi slt, %arg1, %lt3A_59 : i32
    %convert_element_type3A_61 = arith.extui %lt3A_60 : i1 to i32
    %cond3A_62 = arith.constant 0 : i32
    %cond3A_63 = arith.cmpi ne, %convert_element_type3A_61, %cond3A_62 : i32
    scf.if %cond3A_63 {
      %mul3A = arith.constant 320 : i32
      %mul3A_148 = arith.muli %arg1, %mul3A : i32
      %mul3A_149 = arith.constant 320 : i32
      %mul3A_150 = arith.muli %arg1, %mul3A_149 : i32
      %add3A = arith.constant 0 : i32
      %add3A_151 = arith.addi %add3A, %mul3A_150 : i32
      "tpu.region"() ({
        %run_scoped3A_152 = tpu.sem_alloc : memref<!tpu.dma_semaphore, #tpu.memory_space<semaphore_mem>>
        %dma_start3A_153 = arith.constant 0 : i32
        %dma_start3A_154 = tpu.memref_slice %arg4[%arg0, %add3A_151, %dma_start3A_153] : memref<2x10000x128xf32, #tpu.memory_space<hbm>> -> memref<1x320x128xf32, #tpu.memory_space<hbm>>
        %dma_start3A_155 = tpu.memref_squeeze %dma_start3A_154 : memref<1x320x128xf32, #tpu.memory_space<hbm>> -> memref<320x128xf32, #tpu.memory_space<hbm>>
        %dma_start3A_156 = arith.constant 0 : i32
        %dma_start3A_157 = tpu.memref_slice %arg8[%mul3A_148, %dma_start3A_156] : memref<5024x128xf32, #tpu.memory_space<vmem_shared>> -> memref<320x128xf32, #tpu.memory_space<vmem_shared>>
        tpu.enqueue_dma source(%dma_start3A_157 : memref<320x128xf32, #tpu.memory_space<vmem_shared>>) target(%dma_start3A_155 : memref<320x128xf32, #tpu.memory_space<hbm>>) target_semaphore(%run_scoped3A_152 : memref<!tpu.dma_semaphore, #tpu.memory_space<semaphore_mem>>)
        %dma_wait3A_158 = arith.constant 0 : i32
        %dma_wait3A_159 = tpu.memref_slice %arg4[%arg0, %add3A_151, %dma_wait3A_158] : memref<2x10000x128xf32, #tpu.memory_space<hbm>> -> memref<1x320x128xf32, #tpu.memory_space<hbm>>
        %dma_wait3A_160 = tpu.memref_squeeze %dma_wait3A_159 : memref<1x320x128xf32, #tpu.memory_space<hbm>> -> memref<320x128xf32, #tpu.memory_space<hbm>>
        %dma_wait3A_161 = arith.constant 0 : i32
        %dma_wait3A_162 = tpu.memref_slice %arg8[%mul3A_148, %dma_wait3A_161] : memref<5024x128xf32, #tpu.memory_space<vmem_shared>> -> memref<320x128xf32, #tpu.memory_space<vmem_shared>>
        tpu.wait_dma2 semaphore(%run_scoped3A_152 : memref<!tpu.dma_semaphore, #tpu.memory_space<semaphore_mem>>) src(%dma_wait3A_162 : memref<320x128xf32, #tpu.memory_space<vmem_shared>>) dst(%dma_wait3A_160 : memref<320x128xf32, #tpu.memory_space<hbm>>)
        tpu.yield
      }) : () -> ()
    } else {
    }
    %eq3A_64 = arith.constant 15 : i32
    %eq3A_65 = arith.cmpi eq, %arg1, %eq3A_64 : i32
    %convert_element_type3A_66 = arith.extui %eq3A_65 : i1 to i32
    %cond3A_67 = arith.constant 0 : i32
    %cond3A_68 = arith.cmpi ne, %convert_element_type3A_66, %cond3A_67 : i32
    scf.if %cond3A_68 {
      "tpu.region"() ({
        %run_scoped3A_148 = tpu.sem_alloc : memref<!tpu.dma_semaphore, #tpu.memory_space<semaphore_mem>>
        %dma_start3A_149 = arith.constant 4800 : i32
        %dma_start3A_150 = arith.constant 0 : i32
        %dma_start3A_151 = tpu.memref_slice %arg4[%arg0, %dma_start3A_149, %dma_start3A_150] : memref<2x10000x128xf32, #tpu.memory_space<hbm>> -> memref<1x208x128xf32, #tpu.memory_space<hbm>>
        %dma_start3A_152 = tpu.memref_squeeze %dma_start3A_151 : memref<1x208x128xf32, #tpu.memory_space<hbm>> -> memref<208x128xf32, #tpu.memory_space<hbm>>
        %dma_start3A_153 = arith.constant 4800 : i32
        %dma_start3A_154 = arith.constant 0 : i32
        %dma_start3A_155 = tpu.memref_slice %arg8[%dma_start3A_153, %dma_start3A_154] : memref<5024x128xf32, #tpu.memory_space<vmem_shared>> -> memref<208x128xf32, #tpu.memory_space<vmem_shared>>
        tpu.enqueue_dma source(%dma_start3A_155 : memref<208x128xf32, #tpu.memory_space<vmem_shared>>) target(%dma_start3A_152 : memref<208x128xf32, #tpu.memory_space<hbm>>) target_semaphore(%run_scoped3A_148 : memref<!tpu.dma_semaphore, #tpu.memory_space<semaphore_mem>>)
        %dma_wait3A_156 = arith.constant 4800 : i32
        %dma_wait3A_157 = arith.constant 0 : i32
        %dma_wait3A_158 = tpu.memref_slice %arg4[%arg0, %dma_wait3A_156, %dma_wait3A_157] : memref<2x10000x128xf32, #tpu.memory_space<hbm>> -> memref<1x208x128xf32, #tpu.memory_space<hbm>>
        %dma_wait3A_159 = tpu.memref_squeeze %dma_wait3A_158 : memref<1x208x128xf32, #tpu.memory_space<hbm>> -> memref<208x128xf32, #tpu.memory_space<hbm>>
        %dma_wait3A_160 = arith.constant 4800 : i32
        %dma_wait3A_161 = arith.constant 0 : i32
        %dma_wait3A_162 = tpu.memref_slice %arg8[%dma_wait3A_160, %dma_wait3A_161] : memref<5024x128xf32, #tpu.memory_space<vmem_shared>> -> memref<208x128xf32, #tpu.memory_space<vmem_shared>>
        tpu.wait_dma2 semaphore(%run_scoped3A_148 : memref<!tpu.dma_semaphore, #tpu.memory_space<semaphore_mem>>) src(%dma_wait3A_162 : memref<208x128xf32, #tpu.memory_space<vmem_shared>>) dst(%dma_wait3A_159 : memref<208x128xf32, #tpu.memory_space<hbm>>)
        tpu.yield
      }) : () -> ()
    } else {
    }
    %barrier3A_69 = arith.constant 0 : index
    tpu.barrier barrier_id(%barrier3A_69)
    %lt3A_70 = arith.constant 15 : i32
    %lt3A_71 = arith.cmpi slt, %arg1, %lt3A_70 : i32
    %convert_element_type3A_72 = arith.extui %lt3A_71 : i1 to i32
    %cond3A_73 = arith.constant 0 : i32
    %cond3A_74 = arith.cmpi ne, %convert_element_type3A_72, %cond3A_73 : i32
    scf.if %cond3A_74 {
      %mul3A = arith.constant 312 : i32
      %mul3A_148 = arith.muli %arg1, %mul3A : i32
      %add3A = arith.constant 5008 : i32
      %add3A_149 = arith.addi %add3A, %mul3A_148 : i32
      %mul3A_150 = arith.constant 312 : i32
      %mul3A_151 = arith.muli %arg1, %mul3A_150 : i32
      "tpu.region"() ({
        %run_scoped3A_152 = tpu.sem_alloc : memref<!tpu.dma_semaphore, #tpu.memory_space<semaphore_mem>>
        %dma_start3A_153 = arith.constant 0 : i32
        %dma_start3A_154 = tpu.memref_slice %arg8[%mul3A_151, %dma_start3A_153] : memref<5024x128xf32, #tpu.memory_space<vmem_shared>> -> memref<312x128xf32, #tpu.memory_space<vmem_shared>>
        %dma_start3A_155 = arith.constant 0 : i32
        %dma_start3A_156 = tpu.memref_slice %arg2[%add3A_149, %dma_start3A_155] : memref<10000x128xf32, #tpu.memory_space<hbm>> -> memref<312x128xf32, #tpu.memory_space<hbm>>
        tpu.enqueue_dma source(%dma_start3A_156 : memref<312x128xf32, #tpu.memory_space<hbm>>) target(%dma_start3A_154 : memref<312x128xf32, #tpu.memory_space<vmem_shared>>) target_semaphore(%run_scoped3A_152 : memref<!tpu.dma_semaphore, #tpu.memory_space<semaphore_mem>>)
        %dma_wait3A_157 = arith.constant 0 : i32
        %dma_wait3A_158 = tpu.memref_slice %arg8[%mul3A_151, %dma_wait3A_157] : memref<5024x128xf32, #tpu.memory_space<vmem_shared>> -> memref<312x128xf32, #tpu.memory_space<vmem_shared>>
        %dma_wait3A_159 = arith.constant 0 : i32
        %dma_wait3A_160 = tpu.memref_slice %arg2[%add3A_149, %dma_wait3A_159] : memref<10000x128xf32, #tpu.memory_space<hbm>> -> memref<312x128xf32, #tpu.memory_space<hbm>>
        tpu.wait_dma2 semaphore(%run_scoped3A_152 : memref<!tpu.dma_semaphore, #tpu.memory_space<semaphore_mem>>) src(%dma_wait3A_160 : memref<312x128xf32, #tpu.memory_space<hbm>>) dst(%dma_wait3A_158 : memref<312x128xf32, #tpu.memory_space<vmem_shared>>)
        tpu.yield
      }) : () -> ()
    } else {
    }
    %eq3A_75 = arith.constant 15 : i32
    %eq3A_76 = arith.cmpi eq, %arg1, %eq3A_75 : i32
    %convert_element_type3A_77 = arith.extui %eq3A_76 : i1 to i32
    %cond3A_78 = arith.constant 0 : i32
    %cond3A_79 = arith.cmpi ne, %convert_element_type3A_77, %cond3A_78 : i32
    scf.if %cond3A_79 {
      "tpu.region"() ({
        %run_scoped3A_148 = tpu.sem_alloc : memref<!tpu.dma_semaphore, #tpu.memory_space<semaphore_mem>>
        %dma_start3A_149 = arith.constant 4680 : i32
        %dma_start3A_150 = arith.constant 0 : i32
        %dma_start3A_151 = tpu.memref_slice %arg8[%dma_start3A_149, %dma_start3A_150] : memref<5024x128xf32, #tpu.memory_space<vmem_shared>> -> memref<312x128xf32, #tpu.memory_space<vmem_shared>>
        %dma_start3A_152 = arith.constant 9688 : i32
        %dma_start3A_153 = arith.constant 0 : i32
        %dma_start3A_154 = tpu.memref_slice %arg2[%dma_start3A_152, %dma_start3A_153] : memref<10000x128xf32, #tpu.memory_space<hbm>> -> memref<312x128xf32, #tpu.memory_space<hbm>>
        tpu.enqueue_dma source(%dma_start3A_154 : memref<312x128xf32, #tpu.memory_space<hbm>>) target(%dma_start3A_151 : memref<312x128xf32, #tpu.memory_space<vmem_shared>>) target_semaphore(%run_scoped3A_148 : memref<!tpu.dma_semaphore, #tpu.memory_space<semaphore_mem>>)
        %dma_wait3A_155 = arith.constant 4680 : i32
        %dma_wait3A_156 = arith.constant 0 : i32
        %dma_wait3A_157 = tpu.memref_slice %arg8[%dma_wait3A_155, %dma_wait3A_156] : memref<5024x128xf32, #tpu.memory_space<vmem_shared>> -> memref<312x128xf32, #tpu.memory_space<vmem_shared>>
        %dma_wait3A_158 = arith.constant 9688 : i32
        %dma_wait3A_159 = arith.constant 0 : i32
        %dma_wait3A_160 = tpu.memref_slice %arg2[%dma_wait3A_158, %dma_wait3A_159] : memref<10000x128xf32, #tpu.memory_space<hbm>> -> memref<312x128xf32, #tpu.memory_space<hbm>>
        tpu.wait_dma2 semaphore(%run_scoped3A_148 : memref<!tpu.dma_semaphore, #tpu.memory_space<semaphore_mem>>) src(%dma_wait3A_160 : memref<312x128xf32, #tpu.memory_space<hbm>>) dst(%dma_wait3A_157 : memref<312x128xf32, #tpu.memory_space<vmem_shared>>)
        tpu.yield
      }) : () -> ()
    } else {
    }
    %run_scoped3A_80 = arith.constant 2 : i32
    "tpu.region"() ({
      %run_scoped3A_148 = tpu.sem_alloc : memref<!tpu.dma_semaphore, #tpu.memory_space<semaphore_mem>>
      %dma_start3A_149 = arith.constant 0 : i32
      %dma_start3A_150 = arith.constant 0 : i32
      %dma_start3A_151 = tpu.memref_slice %arg3[%arg0, %run_scoped3A_80, %arg1, %dma_start3A_149, %dma_start3A_150] : memref<2x3x16x210x96xi32, #tpu.memory_space<hbm>> -> memref<1x1x1x210x96xi32, #tpu.memory_space<hbm>>
      %dma_start3A_152 = tpu.memref_squeeze %dma_start3A_151 : memref<1x1x1x210x96xi32, #tpu.memory_space<hbm>> -> memref<210x96xi32, #tpu.memory_space<hbm>>
      %dma_start3A_153 = arith.constant 0 : i32
      %dma_start3A_154 = arith.constant 0 : i32
      %dma_start3A_155 = tpu.memref_slice %arg3[%arg0, %run_scoped3A_80, %arg1, %dma_start3A_153, %dma_start3A_154] : memref<2x3x16x210x96xi32, #tpu.memory_space<hbm>> -> memref<1x1x1x210x96xi32, #tpu.memory_space<hbm>>
      %dma_start3A_156 = tpu.memref_squeeze %dma_start3A_155 : memref<1x1x1x210x96xi32, #tpu.memory_space<hbm>> -> memref<210x96xi32, #tpu.memory_space<hbm>>
      tpu.enqueue_dma source(%dma_start3A_156 : memref<210x96xi32, #tpu.memory_space<hbm>>) target(%arg6 : memref<210x96xi32, #tpu.memory_space<vmem>>) target_semaphore(%run_scoped3A_148 : memref<!tpu.dma_semaphore, #tpu.memory_space<semaphore_mem>>)
      %dma_wait3A_157 = arith.constant 0 : i32
      %dma_wait3A_158 = arith.constant 0 : i32
      %dma_wait3A_159 = tpu.memref_slice %arg3[%arg0, %run_scoped3A_80, %arg1, %dma_wait3A_157, %dma_wait3A_158] : memref<2x3x16x210x96xi32, #tpu.memory_space<hbm>> -> memref<1x1x1x210x96xi32, #tpu.memory_space<hbm>>
      %dma_wait3A_160 = tpu.memref_squeeze %dma_wait3A_159 : memref<1x1x1x210x96xi32, #tpu.memory_space<hbm>> -> memref<210x96xi32, #tpu.memory_space<hbm>>
      %dma_wait3A_161 = arith.constant 0 : i32
      %dma_wait3A_162 = arith.constant 0 : i32
      %dma_wait3A_163 = tpu.memref_slice %arg3[%arg0, %run_scoped3A_80, %arg1, %dma_wait3A_161, %dma_wait3A_162] : memref<2x3x16x210x96xi32, #tpu.memory_space<hbm>> -> memref<1x1x1x210x96xi32, #tpu.memory_space<hbm>>
      %dma_wait3A_164 = tpu.memref_squeeze %dma_wait3A_163 : memref<1x1x1x210x96xi32, #tpu.memory_space<hbm>> -> memref<210x96xi32, #tpu.memory_space<hbm>>
      tpu.wait_dma2 semaphore(%run_scoped3A_148 : memref<!tpu.dma_semaphore, #tpu.memory_space<semaphore_mem>>) src(%dma_wait3A_164 : memref<210x96xi32, #tpu.memory_space<hbm>>) dst(%arg6 : memref<210x96xi32, #tpu.memory_space<vmem>>)
      tpu.yield
    }) : () -> ()
    %barrier3A_81 = arith.constant 0 : index
    tpu.barrier barrier_id(%barrier3A_81)
    %dma_start3A_82 = arith.constant 0 : i32
    %dma_start3A_83 = arith.constant 0 : i32
    %dma_start3A_84 = arith.constant 0 : i32
    %dma_start3A_85 = arith.constant 0 : i32
    %dma_start3A_86 = tpu.memref_slice %arg7[%dma_start3A_83, %dma_start3A_84, %dma_start3A_85] : memref<2x96x128xf32, #tpu.memory_space<vmem>> -> memref<1x96x128xf32, #tpu.memory_space<vmem>>
    %dma_start3A_87 = tpu.memref_squeeze %dma_start3A_86 : memref<1x96x128xf32, #tpu.memory_space<vmem>> -> memref<96x128xf32, #tpu.memory_space<vmem>>
    %dma_start3A_88 = arith.constant 0 : i32
    %dma_start3A_89 = tpu.memref_slice %arg5[%dma_start3A_82, %dma_start3A_88] : memref<210x96xi32, #tpu.memory_space<vmem>> -> memref<1x96xi32, #tpu.memory_space<vmem>>
    %dma_start3A_90 = tpu.memref_squeeze %dma_start3A_89 : memref<1x96xi32, #tpu.memory_space<vmem>> -> memref<96xi32, #tpu.memory_space<vmem>>
    %dma_start3A_91 = arith.constant 0 : i32
    %dma_start3A_92 = arith.constant 0 : i32
    %dma_start3A_93 = tpu.memref_slice %arg2[%dma_start3A_91, %dma_start3A_92] : memref<10000x128xf32, #tpu.memory_space<hbm>> -> memref<10000x128xf32, #tpu.memory_space<hbm>>
    tpu.enqueue_indirect_dma source(%dma_start3A_93 : memref<10000x128xf32, #tpu.memory_space<hbm>>) target(%dma_start3A_87 : memref<96x128xf32, #tpu.memory_space<vmem>>) offsets(%dma_start3A_90 : memref<96xi32, #tpu.memory_space<vmem>>) semaphore(%arg9 : memref<!tpu.dma_semaphore, #tpu.memory_space<semaphore_mem>>)
    %dma_start3A_94 = arith.constant 1 : i32
    %dma_start3A_95 = arith.constant 1 : i32
    %dma_start3A_96 = arith.constant 0 : i32
    %dma_start3A_97 = arith.constant 0 : i32
    %dma_start3A_98 = tpu.memref_slice %arg7[%dma_start3A_95, %dma_start3A_96, %dma_start3A_97] : memref<2x96x128xf32, #tpu.memory_space<vmem>> -> memref<1x96x128xf32, #tpu.memory_space<vmem>>
    %dma_start3A_99 = tpu.memref_squeeze %dma_start3A_98 : memref<1x96x128xf32, #tpu.memory_space<vmem>> -> memref<96x128xf32, #tpu.memory_space<vmem>>
    %dma_start3A_100 = arith.constant 0 : i32
    %dma_start3A_101 = tpu.memref_slice %arg5[%dma_start3A_94, %dma_start3A_100] : memref<210x96xi32, #tpu.memory_space<vmem>> -> memref<1x96xi32, #tpu.memory_space<vmem>>
    %dma_start3A_102 = tpu.memref_squeeze %dma_start3A_101 : memref<1x96xi32, #tpu.memory_space<vmem>> -> memref<96xi32, #tpu.memory_space<vmem>>
    %dma_start3A_103 = arith.constant 0 : i32
    %dma_start3A_104 = arith.constant 0 : i32
    %dma_start3A_105 = tpu.memref_slice %arg2[%dma_start3A_103, %dma_start3A_104] : memref<10000x128xf32, #tpu.memory_space<hbm>> -> memref<10000x128xf32, #tpu.memory_space<hbm>>
    tpu.enqueue_indirect_dma source(%dma_start3A_105 : memref<10000x128xf32, #tpu.memory_space<hbm>>) target(%dma_start3A_99 : memref<96x128xf32, #tpu.memory_space<vmem>>) offsets(%dma_start3A_102 : memref<96xi32, #tpu.memory_space<vmem>>) semaphore(%arg10 : memref<!tpu.dma_semaphore, #tpu.memory_space<semaphore_mem>>)
    %scan3A_106 = arith.constant 0 : i32
    %scan3A_107 = arith.constant 0 : i32
    %scan3A_108 = arith.constant 105 : i32
    %scan3A_109 = arith.addi %scan3A_107, %scan3A_108 : i32
    %scan3A_110 = arith.constant 1 : i32
    scf.for %scan3A_148 = %scan3A_107 to %scan3A_109 step %scan3A_110  : i32 {
      %mul3A = arith.constant 2 : i32
      %mul3A_149 = arith.muli %mul3A, %scan3A_148 : i32
      %add3A = arith.constant 0 : i32
      %add3A_150 = arith.addi %mul3A_149, %add3A : i32
      %dma_wait3A_151 = arith.constant 0 : i32
      %dma_wait3A_152 = arith.constant 0 : i32
      %dma_wait3A_153 = arith.constant 0 : i32
      %dma_wait3A_154 = tpu.memref_slice %arg7[%dma_wait3A_151, %dma_wait3A_152, %dma_wait3A_153] : memref<2x96x128xf32, #tpu.memory_space<vmem>> -> memref<1x96x128xf32, #tpu.memory_space<vmem>>
      %dma_wait3A_155 = tpu.memref_squeeze %dma_wait3A_154 : memref<1x96x128xf32, #tpu.memory_space<vmem>> -> memref<96x128xf32, #tpu.memory_space<vmem>>
      %dma_wait3A_156 = arith.constant 0 : i32
      %dma_wait3A_157 = tpu.memref_slice %arg5[%add3A_150, %dma_wait3A_156] : memref<210x96xi32, #tpu.memory_space<vmem>> -> memref<1x96xi32, #tpu.memory_space<vmem>>
      %dma_wait3A_158 = tpu.memref_squeeze %dma_wait3A_157 : memref<1x96xi32, #tpu.memory_space<vmem>> -> memref<96xi32, #tpu.memory_space<vmem>>
      %dma_wait3A_159 = arith.constant 0 : i32
      %dma_wait3A_160 = arith.constant 0 : i32
      %dma_wait3A_161 = tpu.memref_slice %arg2[%dma_wait3A_159, %dma_wait3A_160] : memref<10000x128xf32, #tpu.memory_space<hbm>> -> memref<10000x128xf32, #tpu.memory_space<hbm>>
      tpu.wait_indirect_dma semaphore(%arg9 : memref<!tpu.dma_semaphore, #tpu.memory_space<semaphore_mem>>) src(%dma_wait3A_161 : memref<10000x128xf32, #tpu.memory_space<hbm>>) dst(%dma_wait3A_155 : memref<96x128xf32, #tpu.memory_space<vmem>>)
      %run_scoped3A_162 = arith.constant 0 : i32
      "tpu.region"() ({
        %run_scoped3A_208 = tpu.sem_alloc : memref<!tpu.dma_semaphore, #tpu.memory_space<semaphore_mem>>
        %dma_start3A_209 = arith.constant 0 : i32
        %dma_start3A_210 = arith.constant 0 : i32
        %dma_start3A_211 = tpu.memref_slice %arg7[%run_scoped3A_162, %dma_start3A_209, %dma_start3A_210] : memref<2x96x128xf32, #tpu.memory_space<vmem>> -> memref<1x96x128xf32, #tpu.memory_space<vmem>>
        %dma_start3A_212 = tpu.memref_squeeze %dma_start3A_211 : memref<1x96x128xf32, #tpu.memory_space<vmem>> -> memref<96x128xf32, #tpu.memory_space<vmem>>
        %dma_start3A_213 = arith.constant 0 : i32
        %dma_start3A_214 = tpu.memref_slice %arg6[%add3A_150, %dma_start3A_213] : memref<210x96xi32, #tpu.memory_space<vmem>> -> memref<1x96xi32, #tpu.memory_space<vmem>>
        %dma_start3A_215 = tpu.memref_squeeze %dma_start3A_214 : memref<1x96xi32, #tpu.memory_space<vmem>> -> memref<96xi32, #tpu.memory_space<vmem>>
        %dma_start3A_216 = arith.constant 0 : i32
        %dma_start3A_217 = arith.constant 0 : i32
        %dma_start3A_218 = tpu.memref_slice %arg8[%dma_start3A_216, %dma_start3A_217] : memref<5024x128xf32, #tpu.memory_space<vmem_shared>> -> memref<5024x128xf32, #tpu.memory_space<vmem_shared>>
        tpu.enqueue_indirect_dma source(%dma_start3A_212 : memref<96x128xf32, #tpu.memory_space<vmem>>) target(%dma_start3A_218 : memref<5024x128xf32, #tpu.memory_space<vmem_shared>>) offsets(%dma_start3A_215 : memref<96xi32, #tpu.memory_space<vmem>>) semaphore(%run_scoped3A_208 : memref<!tpu.dma_semaphore, #tpu.memory_space<semaphore_mem>>) {add = true}
        %dma_wait3A_219 = arith.constant 0 : i32
        %dma_wait3A_220 = arith.constant 0 : i32
        %dma_wait3A_221 = tpu.memref_slice %arg7[%run_scoped3A_162, %dma_wait3A_219, %dma_wait3A_220] : memref<2x96x128xf32, #tpu.memory_space<vmem>> -> memref<1x96x128xf32, #tpu.memory_space<vmem>>
        %dma_wait3A_222 = tpu.memref_squeeze %dma_wait3A_221 : memref<1x96x128xf32, #tpu.memory_space<vmem>> -> memref<96x128xf32, #tpu.memory_space<vmem>>
        %dma_wait3A_223 = arith.constant 0 : i32
        %dma_wait3A_224 = tpu.memref_slice %arg6[%add3A_150, %dma_wait3A_223] : memref<210x96xi32, #tpu.memory_space<vmem>> -> memref<1x96xi32, #tpu.memory_space<vmem>>
        %dma_wait3A_225 = tpu.memref_squeeze %dma_wait3A_224 : memref<1x96xi32, #tpu.memory_space<vmem>> -> memref<96xi32, #tpu.memory_space<vmem>>
        %dma_wait3A_226 = arith.constant 0 : i32
        %dma_wait3A_227 = arith.constant 0 : i32
        %dma_wait3A_228 = tpu.memref_slice %arg8[%dma_wait3A_226, %dma_wait3A_227] : memref<5024x128xf32, #tpu.memory_space<vmem_shared>> -> memref<5024x128xf32, #tpu.memory_space<vmem_shared>>
        tpu.wait_indirect_dma semaphore(%run_scoped3A_208 : memref<!tpu.dma_semaphore, #tpu.memory_space<semaphore_mem>>) src(%dma_wait3A_222 : memref<96x128xf32, #tpu.memory_space<vmem>>) dst(%dma_wait3A_228 : memref<5024x128xf32, #tpu.memory_space<vmem_shared>>)
        tpu.yield
      }) : () -> ()
      %add3A_163 = arith.constant 2 : i32
      %add3A_164 = arith.addi %add3A_150, %add3A_163 : i32
      %min3A = arith.constant 209 : i32
      %min3A_165 = arith.minsi %add3A_164, %min3A : i32
      %dma_start3A_166 = arith.constant 0 : i32
      %dma_start3A_167 = arith.constant 0 : i32
      %dma_start3A_168 = arith.constant 0 : i32
      %dma_start3A_169 = tpu.memref_slice %arg7[%dma_start3A_166, %dma_start3A_167, %dma_start3A_168] : memref<2x96x128xf32, #tpu.memory_space<vmem>> -> memref<1x96x128xf32, #tpu.memory_space<vmem>>
      %dma_start3A_170 = tpu.memref_squeeze %dma_start3A_169 : memref<1x96x128xf32, #tpu.memory_space<vmem>> -> memref<96x128xf32, #tpu.memory_space<vmem>>
      %dma_start3A_171 = arith.constant 0 : i32
      %dma_start3A_172 = tpu.memref_slice %arg5[%min3A_165, %dma_start3A_171] : memref<210x96xi32, #tpu.memory_space<vmem>> -> memref<1x96xi32, #tpu.memory_space<vmem>>
      %dma_start3A_173 = tpu.memref_squeeze %dma_start3A_172 : memref<1x96xi32, #tpu.memory_space<vmem>> -> memref<96xi32, #tpu.memory_space<vmem>>
      %dma_start3A_174 = arith.constant 0 : i32
      %dma_start3A_175 = arith.constant 0 : i32
      %dma_start3A_176 = tpu.memref_slice %arg2[%dma_start3A_174, %dma_start3A_175] : memref<10000x128xf32, #tpu.memory_space<hbm>> -> memref<10000x128xf32, #tpu.memory_space<hbm>>
      tpu.enqueue_indirect_dma source(%dma_start3A_176 : memref<10000x128xf32, #tpu.memory_space<hbm>>) target(%dma_start3A_170 : memref<96x128xf32, #tpu.memory_space<vmem>>) offsets(%dma_start3A_173 : memref<96xi32, #tpu.memory_space<vmem>>) semaphore(%arg9 : memref<!tpu.dma_semaphore, #tpu.memory_space<semaphore_mem>>)
      %mul3A_177 = arith.constant 2 : i32
      %mul3A_178 = arith.muli %mul3A_177, %scan3A_148 : i32
      %add3A_179 = arith.constant 1 : i32
      %add3A_180 = arith.addi %mul3A_178, %add3A_179 : i32
      %dma_wait3A_181 = arith.constant 1 : i32
      %dma_wait3A_182 = arith.constant 0 : i32
      %dma_wait3A_183 = arith.constant 0 : i32
      %dma_wait3A_184 = tpu.memref_slice %arg7[%dma_wait3A_181, %dma_wait3A_182, %dma_wait3A_183] : memref<2x96x128xf32, #tpu.memory_space<vmem>> -> memref<1x96x128xf32, #tpu.memory_space<vmem>>
      %dma_wait3A_185 = tpu.memref_squeeze %dma_wait3A_184 : memref<1x96x128xf32, #tpu.memory_space<vmem>> -> memref<96x128xf32, #tpu.memory_space<vmem>>
      %dma_wait3A_186 = arith.constant 0 : i32
      %dma_wait3A_187 = tpu.memref_slice %arg5[%add3A_180, %dma_wait3A_186] : memref<210x96xi32, #tpu.memory_space<vmem>> -> memref<1x96xi32, #tpu.memory_space<vmem>>
      %dma_wait3A_188 = tpu.memref_squeeze %dma_wait3A_187 : memref<1x96xi32, #tpu.memory_space<vmem>> -> memref<96xi32, #tpu.memory_space<vmem>>
      %dma_wait3A_189 = arith.constant 0 : i32
      %dma_wait3A_190 = arith.constant 0 : i32
      %dma_wait3A_191 = tpu.memref_slice %arg2[%dma_wait3A_189, %dma_wait3A_190] : memref<10000x128xf32, #tpu.memory_space<hbm>> -> memref<10000x128xf32, #tpu.memory_space<hbm>>
      tpu.wait_indirect_dma semaphore(%arg10 : memref<!tpu.dma_semaphore, #tpu.memory_space<semaphore_mem>>) src(%dma_wait3A_191 : memref<10000x128xf32, #tpu.memory_space<hbm>>) dst(%dma_wait3A_185 : memref<96x128xf32, #tpu.memory_space<vmem>>)
      %run_scoped3A_192 = arith.constant 1 : i32
      "tpu.region"() ({
        %run_scoped3A_208 = tpu.sem_alloc : memref<!tpu.dma_semaphore, #tpu.memory_space<semaphore_mem>>
        %dma_start3A_209 = arith.constant 0 : i32
        %dma_start3A_210 = arith.constant 0 : i32
        %dma_start3A_211 = tpu.memref_slice %arg7[%run_scoped3A_192, %dma_start3A_209, %dma_start3A_210] : memref<2x96x128xf32, #tpu.memory_space<vmem>> -> memref<1x96x128xf32, #tpu.memory_space<vmem>>
        %dma_start3A_212 = tpu.memref_squeeze %dma_start3A_211 : memref<1x96x128xf32, #tpu.memory_space<vmem>> -> memref<96x128xf32, #tpu.memory_space<vmem>>
        %dma_start3A_213 = arith.constant 0 : i32
        %dma_start3A_214 = tpu.memref_slice %arg6[%add3A_180, %dma_start3A_213] : memref<210x96xi32, #tpu.memory_space<vmem>> -> memref<1x96xi32, #tpu.memory_space<vmem>>
        %dma_start3A_215 = tpu.memref_squeeze %dma_start3A_214 : memref<1x96xi32, #tpu.memory_space<vmem>> -> memref<96xi32, #tpu.memory_space<vmem>>
        %dma_start3A_216 = arith.constant 0 : i32
        %dma_start3A_217 = arith.constant 0 : i32
        %dma_start3A_218 = tpu.memref_slice %arg8[%dma_start3A_216, %dma_start3A_217] : memref<5024x128xf32, #tpu.memory_space<vmem_shared>> -> memref<5024x128xf32, #tpu.memory_space<vmem_shared>>
        tpu.enqueue_indirect_dma source(%dma_start3A_212 : memref<96x128xf32, #tpu.memory_space<vmem>>) target(%dma_start3A_218 : memref<5024x128xf32, #tpu.memory_space<vmem_shared>>) offsets(%dma_start3A_215 : memref<96xi32, #tpu.memory_space<vmem>>) semaphore(%run_scoped3A_208 : memref<!tpu.dma_semaphore, #tpu.memory_space<semaphore_mem>>) {add = true}
        %dma_wait3A_219 = arith.constant 0 : i32
        %dma_wait3A_220 = arith.constant 0 : i32
        %dma_wait3A_221 = tpu.memref_slice %arg7[%run_scoped3A_192, %dma_wait3A_219, %dma_wait3A_220] : memref<2x96x128xf32, #tpu.memory_space<vmem>> -> memref<1x96x128xf32, #tpu.memory_space<vmem>>
        %dma_wait3A_222 = tpu.memref_squeeze %dma_wait3A_221 : memref<1x96x128xf32, #tpu.memory_space<vmem>> -> memref<96x128xf32, #tpu.memory_space<vmem>>
        %dma_wait3A_223 = arith.constant 0 : i32
        %dma_wait3A_224 = tpu.memref_slice %arg6[%add3A_180, %dma_wait3A_223] : memref<210x96xi32, #tpu.memory_space<vmem>> -> memref<1x96xi32, #tpu.memory_space<vmem>>
        %dma_wait3A_225 = tpu.memref_squeeze %dma_wait3A_224 : memref<1x96xi32, #tpu.memory_space<vmem>> -> memref<96xi32, #tpu.memory_space<vmem>>
        %dma_wait3A_226 = arith.constant 0 : i32
        %dma_wait3A_227 = arith.constant 0 : i32
        %dma_wait3A_228 = tpu.memref_slice %arg8[%dma_wait3A_226, %dma_wait3A_227] : memref<5024x128xf32, #tpu.memory_space<vmem_shared>> -> memref<5024x128xf32, #tpu.memory_space<vmem_shared>>
        tpu.wait_indirect_dma semaphore(%run_scoped3A_208 : memref<!tpu.dma_semaphore, #tpu.memory_space<semaphore_mem>>) src(%dma_wait3A_222 : memref<96x128xf32, #tpu.memory_space<vmem>>) dst(%dma_wait3A_228 : memref<5024x128xf32, #tpu.memory_space<vmem_shared>>)
        tpu.yield
      }) : () -> ()
      %add3A_193 = arith.constant 2 : i32
      %add3A_194 = arith.addi %add3A_180, %add3A_193 : i32
      %min3A_195 = arith.constant 209 : i32
      %min3A_196 = arith.minsi %add3A_194, %min3A_195 : i32
      %dma_start3A_197 = arith.constant 1 : i32
      %dma_start3A_198 = arith.constant 0 : i32
      %dma_start3A_199 = arith.constant 0 : i32
      %dma_start3A_200 = tpu.memref_slice %arg7[%dma_start3A_197, %dma_start3A_198, %dma_start3A_199] : memref<2x96x128xf32, #tpu.memory_space<vmem>> -> memref<1x96x128xf32, #tpu.memory_space<vmem>>
      %dma_start3A_201 = tpu.memref_squeeze %dma_start3A_200 : memref<1x96x128xf32, #tpu.memory_space<vmem>> -> memref<96x128xf32, #tpu.memory_space<vmem>>
      %dma_start3A_202 = arith.constant 0 : i32
      %dma_start3A_203 = tpu.memref_slice %arg5[%min3A_196, %dma_start3A_202] : memref<210x96xi32, #tpu.memory_space<vmem>> -> memref<1x96xi32, #tpu.memory_space<vmem>>
      %dma_start3A_204 = tpu.memref_squeeze %dma_start3A_203 : memref<1x96xi32, #tpu.memory_space<vmem>> -> memref<96xi32, #tpu.memory_space<vmem>>
      %dma_start3A_205 = arith.constant 0 : i32
      %dma_start3A_206 = arith.constant 0 : i32
      %dma_start3A_207 = tpu.memref_slice %arg2[%dma_start3A_205, %dma_start3A_206] : memref<10000x128xf32, #tpu.memory_space<hbm>> -> memref<10000x128xf32, #tpu.memory_space<hbm>>
      tpu.enqueue_indirect_dma source(%dma_start3A_207 : memref<10000x128xf32, #tpu.memory_space<hbm>>) target(%dma_start3A_201 : memref<96x128xf32, #tpu.memory_space<vmem>>) offsets(%dma_start3A_204 : memref<96xi32, #tpu.memory_space<vmem>>) semaphore(%arg10 : memref<!tpu.dma_semaphore, #tpu.memory_space<semaphore_mem>>)
    }
    %scan3A_111 = arith.constant 105 : i32
    %dma_wait3A_112 = arith.constant 209 : i32
    %dma_wait3A_113 = arith.constant 0 : i32
    %dma_wait3A_114 = arith.constant 0 : i32
    %dma_wait3A_115 = arith.constant 0 : i32
    %dma_wait3A_116 = tpu.memref_slice %arg7[%dma_wait3A_113, %dma_wait3A_114, %dma_wait3A_115] : memref<2x96x128xf32, #tpu.memory_space<vmem>> -> memref<1x96x128xf32, #tpu.memory_space<vmem>>
    %dma_wait3A_117 = tpu.memref_squeeze %dma_wait3A_116 : memref<1x96x128xf32, #tpu.memory_space<vmem>> -> memref<96x128xf32, #tpu.memory_space<vmem>>
    %dma_wait3A_118 = arith.constant 0 : i32
    %dma_wait3A_119 = tpu.memref_slice %arg5[%dma_wait3A_112, %dma_wait3A_118] : memref<210x96xi32, #tpu.memory_space<vmem>> -> memref<1x96xi32, #tpu.memory_space<vmem>>
    %dma_wait3A_120 = tpu.memref_squeeze %dma_wait3A_119 : memref<1x96xi32, #tpu.memory_space<vmem>> -> memref<96xi32, #tpu.memory_space<vmem>>
    %dma_wait3A_121 = arith.constant 0 : i32
    %dma_wait3A_122 = arith.constant 0 : i32
    %dma_wait3A_123 = tpu.memref_slice %arg2[%dma_wait3A_121, %dma_wait3A_122] : memref<10000x128xf32, #tpu.memory_space<hbm>> -> memref<10000x128xf32, #tpu.memory_space<hbm>>
    tpu.wait_indirect_dma semaphore(%arg9 : memref<!tpu.dma_semaphore, #tpu.memory_space<semaphore_mem>>) src(%dma_wait3A_123 : memref<10000x128xf32, #tpu.memory_space<hbm>>) dst(%dma_wait3A_117 : memref<96x128xf32, #tpu.memory_space<vmem>>)
    %dma_wait3A_124 = arith.constant 209 : i32
    %dma_wait3A_125 = arith.constant 1 : i32
    %dma_wait3A_126 = arith.constant 0 : i32
    %dma_wait3A_127 = arith.constant 0 : i32
    %dma_wait3A_128 = tpu.memref_slice %arg7[%dma_wait3A_125, %dma_wait3A_126, %dma_wait3A_127] : memref<2x96x128xf32, #tpu.memory_space<vmem>> -> memref<1x96x128xf32, #tpu.memory_space<vmem>>
    %dma_wait3A_129 = tpu.memref_squeeze %dma_wait3A_128 : memref<1x96x128xf32, #tpu.memory_space<vmem>> -> memref<96x128xf32, #tpu.memory_space<vmem>>
    %dma_wait3A_130 = arith.constant 0 : i32
    %dma_wait3A_131 = tpu.memref_slice %arg5[%dma_wait3A_124, %dma_wait3A_130] : memref<210x96xi32, #tpu.memory_space<vmem>> -> memref<1x96xi32, #tpu.memory_space<vmem>>
    %dma_wait3A_132 = tpu.memref_squeeze %dma_wait3A_131 : memref<1x96xi32, #tpu.memory_space<vmem>> -> memref<96xi32, #tpu.memory_space<vmem>>
    %dma_wait3A_133 = arith.constant 0 : i32
    %dma_wait3A_134 = arith.constant 0 : i32
    %dma_wait3A_135 = tpu.memref_slice %arg2[%dma_wait3A_133, %dma_wait3A_134] : memref<10000x128xf32, #tpu.memory_space<hbm>> -> memref<10000x128xf32, #tpu.memory_space<hbm>>
    tpu.wait_indirect_dma semaphore(%arg10 : memref<!tpu.dma_semaphore, #tpu.memory_space<semaphore_mem>>) src(%dma_wait3A_135 : memref<10000x128xf32, #tpu.memory_space<hbm>>) dst(%dma_wait3A_129 : memref<96x128xf32, #tpu.memory_space<vmem>>)
    %barrier3A_136 = arith.constant 0 : index
    tpu.barrier barrier_id(%barrier3A_136)
    %lt3A_137 = arith.constant 15 : i32
    %lt3A_138 = arith.cmpi slt, %arg1, %lt3A_137 : i32
    %convert_element_type3A_139 = arith.extui %lt3A_138 : i1 to i32
    %cond3A_140 = arith.constant 0 : i32
    %cond3A_141 = arith.cmpi ne, %convert_element_type3A_139, %cond3A_140 : i32
    scf.if %cond3A_141 {
      %mul3A = arith.constant 312 : i32
      %mul3A_148 = arith.muli %arg1, %mul3A : i32
      %mul3A_149 = arith.constant 312 : i32
      %mul3A_150 = arith.muli %arg1, %mul3A_149 : i32
      %add3A = arith.constant 5008 : i32
      %add3A_151 = arith.addi %add3A, %mul3A_150 : i32
      "tpu.region"() ({
        %run_scoped3A_152 = tpu.sem_alloc : memref<!tpu.dma_semaphore, #tpu.memory_space<semaphore_mem>>
        %dma_start3A_153 = arith.constant 0 : i32
        %dma_start3A_154 = tpu.memref_slice %arg4[%arg0, %add3A_151, %dma_start3A_153] : memref<2x10000x128xf32, #tpu.memory_space<hbm>> -> memref<1x312x128xf32, #tpu.memory_space<hbm>>
        %dma_start3A_155 = tpu.memref_squeeze %dma_start3A_154 : memref<1x312x128xf32, #tpu.memory_space<hbm>> -> memref<312x128xf32, #tpu.memory_space<hbm>>
        %dma_start3A_156 = arith.constant 0 : i32
        %dma_start3A_157 = tpu.memref_slice %arg8[%mul3A_148, %dma_start3A_156] : memref<5024x128xf32, #tpu.memory_space<vmem_shared>> -> memref<312x128xf32, #tpu.memory_space<vmem_shared>>
        tpu.enqueue_dma source(%dma_start3A_157 : memref<312x128xf32, #tpu.memory_space<vmem_shared>>) target(%dma_start3A_155 : memref<312x128xf32, #tpu.memory_space<hbm>>) target_semaphore(%run_scoped3A_152 : memref<!tpu.dma_semaphore, #tpu.memory_space<semaphore_mem>>)
        %dma_wait3A_158 = arith.constant 0 : i32
        %dma_wait3A_159 = tpu.memref_slice %arg4[%arg0, %add3A_151, %dma_wait3A_158] : memref<2x10000x128xf32, #tpu.memory_space<hbm>> -> memref<1x312x128xf32, #tpu.memory_space<hbm>>
        %dma_wait3A_160 = tpu.memref_squeeze %dma_wait3A_159 : memref<1x312x128xf32, #tpu.memory_space<hbm>> -> memref<312x128xf32, #tpu.memory_space<hbm>>
        %dma_wait3A_161 = arith.constant 0 : i32
        %dma_wait3A_162 = tpu.memref_slice %arg8[%mul3A_148, %dma_wait3A_161] : memref<5024x128xf32, #tpu.memory_space<vmem_shared>> -> memref<312x128xf32, #tpu.memory_space<vmem_shared>>
        tpu.wait_dma2 semaphore(%run_scoped3A_152 : memref<!tpu.dma_semaphore, #tpu.memory_space<semaphore_mem>>) src(%dma_wait3A_162 : memref<312x128xf32, #tpu.memory_space<vmem_shared>>) dst(%dma_wait3A_160 : memref<312x128xf32, #tpu.memory_space<hbm>>)
        tpu.yield
      }) : () -> ()
    } else {
    }
    %eq3A_142 = arith.constant 15 : i32
    %eq3A_143 = arith.cmpi eq, %arg1, %eq3A_142 : i32
    %convert_element_type3A_144 = arith.extui %eq3A_143 : i1 to i32
    %cond3A_145 = arith.constant 0 : i32
    %cond3A_146 = arith.cmpi ne, %convert_element_type3A_144, %cond3A_145 : i32
    scf.if %cond3A_146 {
      "tpu.region"() ({
        %run_scoped3A_148 = tpu.sem_alloc : memref<!tpu.dma_semaphore, #tpu.memory_space<semaphore_mem>>
        %dma_start3A_149 = arith.constant 9688 : i32
        %dma_start3A_150 = arith.constant 0 : i32
        %dma_start3A_151 = tpu.memref_slice %arg4[%arg0, %dma_start3A_149, %dma_start3A_150] : memref<2x10000x128xf32, #tpu.memory_space<hbm>> -> memref<1x312x128xf32, #tpu.memory_space<hbm>>
        %dma_start3A_152 = tpu.memref_squeeze %dma_start3A_151 : memref<1x312x128xf32, #tpu.memory_space<hbm>> -> memref<312x128xf32, #tpu.memory_space<hbm>>
        %dma_start3A_153 = arith.constant 4680 : i32
        %dma_start3A_154 = arith.constant 0 : i32
        %dma_start3A_155 = tpu.memref_slice %arg8[%dma_start3A_153, %dma_start3A_154] : memref<5024x128xf32, #tpu.memory_space<vmem_shared>> -> memref<312x128xf32, #tpu.memory_space<vmem_shared>>
        tpu.enqueue_dma source(%dma_start3A_155 : memref<312x128xf32, #tpu.memory_space<vmem_shared>>) target(%dma_start3A_152 : memref<312x128xf32, #tpu.memory_space<hbm>>) target_semaphore(%run_scoped3A_148 : memref<!tpu.dma_semaphore, #tpu.memory_space<semaphore_mem>>)
        %dma_wait3A_156 = arith.constant 9688 : i32
        %dma_wait3A_157 = arith.constant 0 : i32
        %dma_wait3A_158 = tpu.memref_slice %arg4[%arg0, %dma_wait3A_156, %dma_wait3A_157] : memref<2x10000x128xf32, #tpu.memory_space<hbm>> -> memref<1x312x128xf32, #tpu.memory_space<hbm>>
        %dma_wait3A_159 = tpu.memref_squeeze %dma_wait3A_158 : memref<1x312x128xf32, #tpu.memory_space<hbm>> -> memref<312x128xf32, #tpu.memory_space<hbm>>
        %dma_wait3A_160 = arith.constant 4680 : i32
        %dma_wait3A_161 = arith.constant 0 : i32
        %dma_wait3A_162 = tpu.memref_slice %arg8[%dma_wait3A_160, %dma_wait3A_161] : memref<5024x128xf32, #tpu.memory_space<vmem_shared>> -> memref<312x128xf32, #tpu.memory_space<vmem_shared>>
        tpu.wait_dma2 semaphore(%run_scoped3A_148 : memref<!tpu.dma_semaphore, #tpu.memory_space<semaphore_mem>>) src(%dma_wait3A_162 : memref<312x128xf32, #tpu.memory_space<vmem_shared>>) dst(%dma_wait3A_159 : memref<312x128xf32, #tpu.memory_space<hbm>>)
        tpu.yield
      }) : () -> ()
    } else {
    }
    %barrier3A_147 = arith.constant 0 : index
    tpu.barrier barrier_id(%barrier3A_147)
    return
  }
}

module attributes {stable_mosaic.version = 14 : i64} {
  func.func @_mlp_body(%arg0: memref<10000x128xf32, #tpu.memory_space<vmem>>, %arg1: memref<10000x128xf32, #tpu.memory_space<vmem>>, %arg2: memref<128x128xf32, #tpu.memory_space<vmem>>, %arg3: memref<128xf32, #tpu.memory_space<vmem>>, %arg4: memref<128xf32, #tpu.memory_space<vmem>>, %arg5: memref<128xf32, #tpu.memory_space<vmem>>, %arg6: memref<128x128xf32, #tpu.memory_space<vmem>>, %arg7: memref<128xf32, #tpu.memory_space<vmem>>, %arg8: memref<128xf32, #tpu.memory_space<vmem>>, %arg9: memref<128xf32, #tpu.memory_space<vmem>>, %arg10: memref<128x128xf32, #tpu.memory_space<vmem>>, %arg11: memref<128xf32, #tpu.memory_space<vmem>>, %arg12: memref<128xf32, #tpu.memory_space<vmem>>, %arg13: memref<128xf32, #tpu.memory_space<vmem>>, %arg14: memref<128x128xf32, #tpu.memory_space<vmem>>, %arg15: memref<128xf32, #tpu.memory_space<vmem>>, %arg16: memref<128xf32, #tpu.memory_space<vmem>>, %arg17: memref<128xf32, #tpu.memory_space<vmem>>, %arg18: memref<128x128xf32, #tpu.memory_space<vmem>>, %arg19: memref<128x128xf32, #tpu.memory_space<vmem>>, %arg20: memref<128xf32, #tpu.memory_space<vmem>>, %arg21: memref<128xf32, #tpu.memory_space<vmem>>, %arg22: memref<128xf32, #tpu.memory_space<vmem>>, %arg23: memref<10000x128xf32, #tpu.memory_space<vmem>>) attributes {dimension_semantics = [], scalar_prefetch = 0 : i64, scratch_operands = 0 : i64, tpu.core_type = #tpu.core_type<tc>} {
    %get3A = arith.constant 0 : index
    %get3A_0 = arith.constant 0 : index
    %get3A_1 = vector.load %arg0[%get3A, %get3A_0] : memref<10000x128xf32, #tpu.memory_space<vmem>>, vector<10000x128xf32>
    %get3A_2 = arith.constant 0 : index
    %get3A_3 = arith.constant 0 : index
    %get3A_4 = vector.load %arg2[%get3A_2, %get3A_3] : memref<128x128xf32, #tpu.memory_space<vmem>>, vector<128x128xf32>
    %dot_general3A = arith.constant dense<0.000000e+00> : vector<10000x128xf32>
    %dot_general3A_5 = tpu.matmul %get3A_1, %get3A_4, %dot_general3A {dimension_numbers = #tpu.dot_dimension_numbers<[1], [0], [0], [1], [0, 0, 1, 1], [], []>, transpose_lhs_hint = false} : vector<10000x128xf32>, vector<128x128xf32>, vector<10000x128xf32> -> vector<10000x128xf32>
    %get3A_6 = arith.constant 0 : index
    %get3A_7 = vector.load %arg3[%get3A_6] : memref<128xf32, #tpu.memory_space<vmem>>, vector<128xf32>
    %broadcast_in_dim3A = vector.shape_cast %get3A_7 : vector<128xf32> to vector<1x128xf32>
    %add3A = vector.broadcast %broadcast_in_dim3A : vector<1x128xf32> to vector<10000x128xf32>
    %add3A_8 = arith.addf %dot_general3A_5, %add3A : vector<10000x128xf32>
    %get3A_9 = arith.constant 0 : index
    %get3A_10 = vector.load %arg4[%get3A_9] : memref<128xf32, #tpu.memory_space<vmem>>, vector<128xf32>
    %get3A_11 = arith.constant 0 : index
    %get3A_12 = vector.load %arg5[%get3A_11] : memref<128xf32, #tpu.memory_space<vmem>>, vector<128xf32>
    %reduce_sum3A = arith.constant dense<0.000000e+00> : vector<128xf32>
    %reduce_sum3A_13 = vector.multi_reduction <add>, %add3A_8, %reduce_sum3A [0] : vector<10000x128xf32> to vector<128xf32>
    %broadcast_in_dim3A_14 = vector.shape_cast %reduce_sum3A_13 : vector<128xf32> to vector<1x128xf32>
    %div3A = arith.constant 1.000000e+04 : f32
    %div3A_15 = vector.broadcast %div3A : f32 to vector<1x128xf32>
    %div3A_16 = arith.divf %broadcast_in_dim3A_14, %div3A_15 : vector<1x128xf32>
    %sub3A = vector.broadcast %div3A_16 : vector<1x128xf32> to vector<10000x128xf32>
    %sub3A_17 = arith.subf %add3A_8, %sub3A : vector<10000x128xf32>
    %integer_pow3A = arith.mulf %sub3A_17, %sub3A_17 : vector<10000x128xf32>
    %reduce_sum3A_18 = arith.constant dense<0.000000e+00> : vector<128xf32>
    %reduce_sum3A_19 = vector.multi_reduction <add>, %integer_pow3A, %reduce_sum3A_18 [0] : vector<10000x128xf32> to vector<128xf32>
    %broadcast_in_dim3A_20 = vector.shape_cast %reduce_sum3A_19 : vector<128xf32> to vector<1x128xf32>
    %div3A_21 = arith.constant 1.000000e+04 : f32
    %div3A_22 = vector.broadcast %div3A_21 : f32 to vector<1x128xf32>
    %div3A_23 = arith.divf %broadcast_in_dim3A_20, %div3A_22 : vector<1x128xf32>
    %sub3A_24 = vector.broadcast %div3A_16 : vector<1x128xf32> to vector<10000x128xf32>
    %sub3A_25 = arith.subf %add3A_8, %sub3A_24 : vector<10000x128xf32>
    %broadcast_in_dim3A_26 = vector.shape_cast %get3A_10 : vector<128xf32> to vector<1x128xf32>
    %mul3A = vector.broadcast %broadcast_in_dim3A_26 : vector<1x128xf32> to vector<10000x128xf32>
    %mul3A_27 = arith.mulf %mul3A, %sub3A_25 : vector<10000x128xf32>
    %add3A_28 = arith.constant 9.99999974E-6 : f32
    %add3A_29 = vector.broadcast %add3A_28 : f32 to vector<1x128xf32>
    %add3A_30 = arith.addf %div3A_23, %add3A_29 : vector<1x128xf32>
    %sqrt3A = math.sqrt %add3A_30 : vector<1x128xf32>
    %div3A_31 = vector.broadcast %sqrt3A : vector<1x128xf32> to vector<10000x128xf32>
    %div3A_32 = arith.divf %mul3A_27, %div3A_31 : vector<10000x128xf32>
    %broadcast_in_dim3A_33 = vector.shape_cast %get3A_12 : vector<128xf32> to vector<1x128xf32>
    %add3A_34 = vector.broadcast %broadcast_in_dim3A_33 : vector<1x128xf32> to vector<10000x128xf32>
    %add3A_35 = arith.addf %div3A_32, %add3A_34 : vector<10000x128xf32>
    %max3A = arith.constant 0.000000e+00 : f32
    %max3A_36 = vector.broadcast %max3A : f32 to vector<10000x128xf32>
    %max3A_37 = arith.maximumf %add3A_35, %max3A_36 : vector<10000x128xf32>
    %get3A_38 = arith.constant 0 : index
    %get3A_39 = arith.constant 0 : index
    %get3A_40 = vector.load %arg6[%get3A_38, %get3A_39] : memref<128x128xf32, #tpu.memory_space<vmem>>, vector<128x128xf32>
    %dot_general3A_41 = arith.constant dense<0.000000e+00> : vector<10000x128xf32>
    %dot_general3A_42 = tpu.matmul %max3A_37, %get3A_40, %dot_general3A_41 {dimension_numbers = #tpu.dot_dimension_numbers<[1], [0], [0], [1], [0, 0, 1, 1], [], []>, transpose_lhs_hint = false} : vector<10000x128xf32>, vector<128x128xf32>, vector<10000x128xf32> -> vector<10000x128xf32>
    %get3A_43 = arith.constant 0 : index
    %get3A_44 = vector.load %arg7[%get3A_43] : memref<128xf32, #tpu.memory_space<vmem>>, vector<128xf32>
    %broadcast_in_dim3A_45 = vector.shape_cast %get3A_44 : vector<128xf32> to vector<1x128xf32>
    %add3A_46 = vector.broadcast %broadcast_in_dim3A_45 : vector<1x128xf32> to vector<10000x128xf32>
    %add3A_47 = arith.addf %dot_general3A_42, %add3A_46 : vector<10000x128xf32>
    %get3A_48 = arith.constant 0 : index
    %get3A_49 = vector.load %arg8[%get3A_48] : memref<128xf32, #tpu.memory_space<vmem>>, vector<128xf32>
    %get3A_50 = arith.constant 0 : index
    %get3A_51 = vector.load %arg9[%get3A_50] : memref<128xf32, #tpu.memory_space<vmem>>, vector<128xf32>
    %reduce_sum3A_52 = arith.constant dense<0.000000e+00> : vector<128xf32>
    %reduce_sum3A_53 = vector.multi_reduction <add>, %add3A_47, %reduce_sum3A_52 [0] : vector<10000x128xf32> to vector<128xf32>
    %broadcast_in_dim3A_54 = vector.shape_cast %reduce_sum3A_53 : vector<128xf32> to vector<1x128xf32>
    %div3A_55 = arith.constant 1.000000e+04 : f32
    %div3A_56 = vector.broadcast %div3A_55 : f32 to vector<1x128xf32>
    %div3A_57 = arith.divf %broadcast_in_dim3A_54, %div3A_56 : vector<1x128xf32>
    %sub3A_58 = vector.broadcast %div3A_57 : vector<1x128xf32> to vector<10000x128xf32>
    %sub3A_59 = arith.subf %add3A_47, %sub3A_58 : vector<10000x128xf32>
    %integer_pow3A_60 = arith.mulf %sub3A_59, %sub3A_59 : vector<10000x128xf32>
    %reduce_sum3A_61 = arith.constant dense<0.000000e+00> : vector<128xf32>
    %reduce_sum3A_62 = vector.multi_reduction <add>, %integer_pow3A_60, %reduce_sum3A_61 [0] : vector<10000x128xf32> to vector<128xf32>
    %broadcast_in_dim3A_63 = vector.shape_cast %reduce_sum3A_62 : vector<128xf32> to vector<1x128xf32>
    %div3A_64 = arith.constant 1.000000e+04 : f32
    %div3A_65 = vector.broadcast %div3A_64 : f32 to vector<1x128xf32>
    %div3A_66 = arith.divf %broadcast_in_dim3A_63, %div3A_65 : vector<1x128xf32>
    %sub3A_67 = vector.broadcast %div3A_57 : vector<1x128xf32> to vector<10000x128xf32>
    %sub3A_68 = arith.subf %add3A_47, %sub3A_67 : vector<10000x128xf32>
    %broadcast_in_dim3A_69 = vector.shape_cast %get3A_49 : vector<128xf32> to vector<1x128xf32>
    %mul3A_70 = vector.broadcast %broadcast_in_dim3A_69 : vector<1x128xf32> to vector<10000x128xf32>
    %mul3A_71 = arith.mulf %mul3A_70, %sub3A_68 : vector<10000x128xf32>
    %add3A_72 = arith.constant 9.99999974E-6 : f32
    %add3A_73 = vector.broadcast %add3A_72 : f32 to vector<1x128xf32>
    %add3A_74 = arith.addf %div3A_66, %add3A_73 : vector<1x128xf32>
    %sqrt3A_75 = math.sqrt %add3A_74 : vector<1x128xf32>
    %div3A_76 = vector.broadcast %sqrt3A_75 : vector<1x128xf32> to vector<10000x128xf32>
    %div3A_77 = arith.divf %mul3A_71, %div3A_76 : vector<10000x128xf32>
    %broadcast_in_dim3A_78 = vector.shape_cast %get3A_51 : vector<128xf32> to vector<1x128xf32>
    %add3A_79 = vector.broadcast %broadcast_in_dim3A_78 : vector<1x128xf32> to vector<10000x128xf32>
    %add3A_80 = arith.addf %div3A_77, %add3A_79 : vector<10000x128xf32>
    %max3A_81 = arith.constant 0.000000e+00 : f32
    %max3A_82 = vector.broadcast %max3A_81 : f32 to vector<10000x128xf32>
    %max3A_83 = arith.maximumf %add3A_80, %max3A_82 : vector<10000x128xf32>
    %get3A_84 = arith.constant 0 : index
    %get3A_85 = arith.constant 0 : index
    %get3A_86 = vector.load %arg1[%get3A_84, %get3A_85] : memref<10000x128xf32, #tpu.memory_space<vmem>>, vector<10000x128xf32>
    %get3A_87 = arith.constant 0 : index
    %get3A_88 = arith.constant 0 : index
    %get3A_89 = vector.load %arg10[%get3A_87, %get3A_88] : memref<128x128xf32, #tpu.memory_space<vmem>>, vector<128x128xf32>
    %dot_general3A_90 = arith.constant dense<0.000000e+00> : vector<10000x128xf32>
    %dot_general3A_91 = tpu.matmul %get3A_86, %get3A_89, %dot_general3A_90 {dimension_numbers = #tpu.dot_dimension_numbers<[1], [0], [0], [1], [0, 0, 1, 1], [], []>, transpose_lhs_hint = false} : vector<10000x128xf32>, vector<128x128xf32>, vector<10000x128xf32> -> vector<10000x128xf32>
    %get3A_92 = arith.constant 0 : index
    %get3A_93 = vector.load %arg11[%get3A_92] : memref<128xf32, #tpu.memory_space<vmem>>, vector<128xf32>
    %broadcast_in_dim3A_94 = vector.shape_cast %get3A_93 : vector<128xf32> to vector<1x128xf32>
    %add3A_95 = vector.broadcast %broadcast_in_dim3A_94 : vector<1x128xf32> to vector<10000x128xf32>
    %add3A_96 = arith.addf %dot_general3A_91, %add3A_95 : vector<10000x128xf32>
    %get3A_97 = arith.constant 0 : index
    %get3A_98 = vector.load %arg12[%get3A_97] : memref<128xf32, #tpu.memory_space<vmem>>, vector<128xf32>
    %get3A_99 = arith.constant 0 : index
    %get3A_100 = vector.load %arg13[%get3A_99] : memref<128xf32, #tpu.memory_space<vmem>>, vector<128xf32>
    %reduce_sum3A_101 = arith.constant dense<0.000000e+00> : vector<128xf32>
    %reduce_sum3A_102 = vector.multi_reduction <add>, %add3A_96, %reduce_sum3A_101 [0] : vector<10000x128xf32> to vector<128xf32>
    %broadcast_in_dim3A_103 = vector.shape_cast %reduce_sum3A_102 : vector<128xf32> to vector<1x128xf32>
    %div3A_104 = arith.constant 1.000000e+04 : f32
    %div3A_105 = vector.broadcast %div3A_104 : f32 to vector<1x128xf32>
    %div3A_106 = arith.divf %broadcast_in_dim3A_103, %div3A_105 : vector<1x128xf32>
    %sub3A_107 = vector.broadcast %div3A_106 : vector<1x128xf32> to vector<10000x128xf32>
    %sub3A_108 = arith.subf %add3A_96, %sub3A_107 : vector<10000x128xf32>
    %integer_pow3A_109 = arith.mulf %sub3A_108, %sub3A_108 : vector<10000x128xf32>
    %reduce_sum3A_110 = arith.constant dense<0.000000e+00> : vector<128xf32>
    %reduce_sum3A_111 = vector.multi_reduction <add>, %integer_pow3A_109, %reduce_sum3A_110 [0] : vector<10000x128xf32> to vector<128xf32>
    %broadcast_in_dim3A_112 = vector.shape_cast %reduce_sum3A_111 : vector<128xf32> to vector<1x128xf32>
    %div3A_113 = arith.constant 1.000000e+04 : f32
    %div3A_114 = vector.broadcast %div3A_113 : f32 to vector<1x128xf32>
    %div3A_115 = arith.divf %broadcast_in_dim3A_112, %div3A_114 : vector<1x128xf32>
    %sub3A_116 = vector.broadcast %div3A_106 : vector<1x128xf32> to vector<10000x128xf32>
    %sub3A_117 = arith.subf %add3A_96, %sub3A_116 : vector<10000x128xf32>
    %broadcast_in_dim3A_118 = vector.shape_cast %get3A_98 : vector<128xf32> to vector<1x128xf32>
    %mul3A_119 = vector.broadcast %broadcast_in_dim3A_118 : vector<1x128xf32> to vector<10000x128xf32>
    %mul3A_120 = arith.mulf %mul3A_119, %sub3A_117 : vector<10000x128xf32>
    %add3A_121 = arith.constant 9.99999974E-6 : f32
    %add3A_122 = vector.broadcast %add3A_121 : f32 to vector<1x128xf32>
    %add3A_123 = arith.addf %div3A_115, %add3A_122 : vector<1x128xf32>
    %sqrt3A_124 = math.sqrt %add3A_123 : vector<1x128xf32>
    %div3A_125 = vector.broadcast %sqrt3A_124 : vector<1x128xf32> to vector<10000x128xf32>
    %div3A_126 = arith.divf %mul3A_120, %div3A_125 : vector<10000x128xf32>
    %broadcast_in_dim3A_127 = vector.shape_cast %get3A_100 : vector<128xf32> to vector<1x128xf32>
    %add3A_128 = vector.broadcast %broadcast_in_dim3A_127 : vector<1x128xf32> to vector<10000x128xf32>
    %add3A_129 = arith.addf %div3A_126, %add3A_128 : vector<10000x128xf32>
    %max3A_130 = arith.constant 0.000000e+00 : f32
    %max3A_131 = vector.broadcast %max3A_130 : f32 to vector<10000x128xf32>
    %max3A_132 = arith.maximumf %add3A_129, %max3A_131 : vector<10000x128xf32>
    %get3A_133 = arith.constant 0 : index
    %get3A_134 = arith.constant 0 : index
    %get3A_135 = vector.load %arg14[%get3A_133, %get3A_134] : memref<128x128xf32, #tpu.memory_space<vmem>>, vector<128x128xf32>
    %dot_general3A_136 = arith.constant dense<0.000000e+00> : vector<10000x128xf32>
    %dot_general3A_137 = tpu.matmul %max3A_132, %get3A_135, %dot_general3A_136 {dimension_numbers = #tpu.dot_dimension_numbers<[1], [0], [0], [1], [0, 0, 1, 1], [], []>, transpose_lhs_hint = false} : vector<10000x128xf32>, vector<128x128xf32>, vector<10000x128xf32> -> vector<10000x128xf32>
    %get3A_138 = arith.constant 0 : index
    %get3A_139 = vector.load %arg15[%get3A_138] : memref<128xf32, #tpu.memory_space<vmem>>, vector<128xf32>
    %broadcast_in_dim3A_140 = vector.shape_cast %get3A_139 : vector<128xf32> to vector<1x128xf32>
    %add3A_141 = vector.broadcast %broadcast_in_dim3A_140 : vector<1x128xf32> to vector<10000x128xf32>
    %add3A_142 = arith.addf %dot_general3A_137, %add3A_141 : vector<10000x128xf32>
    %get3A_143 = arith.constant 0 : index
    %get3A_144 = vector.load %arg16[%get3A_143] : memref<128xf32, #tpu.memory_space<vmem>>, vector<128xf32>
    %get3A_145 = arith.constant 0 : index
    %get3A_146 = vector.load %arg17[%get3A_145] : memref<128xf32, #tpu.memory_space<vmem>>, vector<128xf32>
    %reduce_sum3A_147 = arith.constant dense<0.000000e+00> : vector<128xf32>
    %reduce_sum3A_148 = vector.multi_reduction <add>, %add3A_142, %reduce_sum3A_147 [0] : vector<10000x128xf32> to vector<128xf32>
    %broadcast_in_dim3A_149 = vector.shape_cast %reduce_sum3A_148 : vector<128xf32> to vector<1x128xf32>
    %div3A_150 = arith.constant 1.000000e+04 : f32
    %div3A_151 = vector.broadcast %div3A_150 : f32 to vector<1x128xf32>
    %div3A_152 = arith.divf %broadcast_in_dim3A_149, %div3A_151 : vector<1x128xf32>
    %sub3A_153 = vector.broadcast %div3A_152 : vector<1x128xf32> to vector<10000x128xf32>
    %sub3A_154 = arith.subf %add3A_142, %sub3A_153 : vector<10000x128xf32>
    %integer_pow3A_155 = arith.mulf %sub3A_154, %sub3A_154 : vector<10000x128xf32>
    %reduce_sum3A_156 = arith.constant dense<0.000000e+00> : vector<128xf32>
    %reduce_sum3A_157 = vector.multi_reduction <add>, %integer_pow3A_155, %reduce_sum3A_156 [0] : vector<10000x128xf32> to vector<128xf32>
    %broadcast_in_dim3A_158 = vector.shape_cast %reduce_sum3A_157 : vector<128xf32> to vector<1x128xf32>
    %div3A_159 = arith.constant 1.000000e+04 : f32
    %div3A_160 = vector.broadcast %div3A_159 : f32 to vector<1x128xf32>
    %div3A_161 = arith.divf %broadcast_in_dim3A_158, %div3A_160 : vector<1x128xf32>
    %sub3A_162 = vector.broadcast %div3A_152 : vector<1x128xf32> to vector<10000x128xf32>
    %sub3A_163 = arith.subf %add3A_142, %sub3A_162 : vector<10000x128xf32>
    %broadcast_in_dim3A_164 = vector.shape_cast %get3A_144 : vector<128xf32> to vector<1x128xf32>
    %mul3A_165 = vector.broadcast %broadcast_in_dim3A_164 : vector<1x128xf32> to vector<10000x128xf32>
    %mul3A_166 = arith.mulf %mul3A_165, %sub3A_163 : vector<10000x128xf32>
    %add3A_167 = arith.constant 9.99999974E-6 : f32
    %add3A_168 = vector.broadcast %add3A_167 : f32 to vector<1x128xf32>
    %add3A_169 = arith.addf %div3A_161, %add3A_168 : vector<1x128xf32>
    %sqrt3A_170 = math.sqrt %add3A_169 : vector<1x128xf32>
    %div3A_171 = vector.broadcast %sqrt3A_170 : vector<1x128xf32> to vector<10000x128xf32>
    %div3A_172 = arith.divf %mul3A_166, %div3A_171 : vector<10000x128xf32>
    %broadcast_in_dim3A_173 = vector.shape_cast %get3A_146 : vector<128xf32> to vector<1x128xf32>
    %add3A_174 = vector.broadcast %broadcast_in_dim3A_173 : vector<1x128xf32> to vector<10000x128xf32>
    %add3A_175 = arith.addf %div3A_172, %add3A_174 : vector<10000x128xf32>
    %max3A_176 = arith.constant 0.000000e+00 : f32
    %max3A_177 = vector.broadcast %max3A_176 : f32 to vector<10000x128xf32>
    %max3A_178 = arith.maximumf %add3A_175, %max3A_177 : vector<10000x128xf32>
    %get3A_179 = arith.constant 0 : index
    %get3A_180 = arith.constant 0 : index
    %get3A_181 = vector.load %arg18[%get3A_179, %get3A_180] : memref<128x128xf32, #tpu.memory_space<vmem>>, vector<128x128xf32>
    %dot_general3A_182 = arith.constant dense<0.000000e+00> : vector<10000x128xf32>
    %dot_general3A_183 = tpu.matmul %max3A_83, %get3A_181, %dot_general3A_182 {dimension_numbers = #tpu.dot_dimension_numbers<[1], [0], [0], [1], [0, 0, 1, 1], [], []>, transpose_lhs_hint = false} : vector<10000x128xf32>, vector<128x128xf32>, vector<10000x128xf32> -> vector<10000x128xf32>
    %get3A_184 = arith.constant 0 : index
    %get3A_185 = arith.constant 0 : index
    %get3A_186 = vector.load %arg19[%get3A_184, %get3A_185] : memref<128x128xf32, #tpu.memory_space<vmem>>, vector<128x128xf32>
    %dot_general3A_187 = arith.constant dense<0.000000e+00> : vector<10000x128xf32>
    %dot_general3A_188 = tpu.matmul %max3A_178, %get3A_186, %dot_general3A_187 {dimension_numbers = #tpu.dot_dimension_numbers<[1], [0], [0], [1], [0, 0, 1, 1], [], []>, transpose_lhs_hint = false} : vector<10000x128xf32>, vector<128x128xf32>, vector<10000x128xf32> -> vector<10000x128xf32>
    %add3A_189 = arith.addf %dot_general3A_183, %dot_general3A_188 : vector<10000x128xf32>
    %get3A_190 = arith.constant 0 : index
    %get3A_191 = vector.load %arg20[%get3A_190] : memref<128xf32, #tpu.memory_space<vmem>>, vector<128xf32>
    %broadcast_in_dim3A_192 = vector.shape_cast %get3A_191 : vector<128xf32> to vector<1x128xf32>
    %add3A_193 = vector.broadcast %broadcast_in_dim3A_192 : vector<1x128xf32> to vector<10000x128xf32>
    %add3A_194 = arith.addf %add3A_189, %add3A_193 : vector<10000x128xf32>
    %get3A_195 = arith.constant 0 : index
    %get3A_196 = vector.load %arg21[%get3A_195] : memref<128xf32, #tpu.memory_space<vmem>>, vector<128xf32>
    %get3A_197 = arith.constant 0 : index
    %get3A_198 = vector.load %arg22[%get3A_197] : memref<128xf32, #tpu.memory_space<vmem>>, vector<128xf32>
    %reduce_sum3A_199 = arith.constant dense<0.000000e+00> : vector<128xf32>
    %reduce_sum3A_200 = vector.multi_reduction <add>, %add3A_194, %reduce_sum3A_199 [0] : vector<10000x128xf32> to vector<128xf32>
    %broadcast_in_dim3A_201 = vector.shape_cast %reduce_sum3A_200 : vector<128xf32> to vector<1x128xf32>
    %div3A_202 = arith.constant 1.000000e+04 : f32
    %div3A_203 = vector.broadcast %div3A_202 : f32 to vector<1x128xf32>
    %div3A_204 = arith.divf %broadcast_in_dim3A_201, %div3A_203 : vector<1x128xf32>
    %sub3A_205 = vector.broadcast %div3A_204 : vector<1x128xf32> to vector<10000x128xf32>
    %sub3A_206 = arith.subf %add3A_194, %sub3A_205 : vector<10000x128xf32>
    %integer_pow3A_207 = arith.mulf %sub3A_206, %sub3A_206 : vector<10000x128xf32>
    %reduce_sum3A_208 = arith.constant dense<0.000000e+00> : vector<128xf32>
    %reduce_sum3A_209 = vector.multi_reduction <add>, %integer_pow3A_207, %reduce_sum3A_208 [0] : vector<10000x128xf32> to vector<128xf32>
    %broadcast_in_dim3A_210 = vector.shape_cast %reduce_sum3A_209 : vector<128xf32> to vector<1x128xf32>
    %div3A_211 = arith.constant 1.000000e+04 : f32
    %div3A_212 = vector.broadcast %div3A_211 : f32 to vector<1x128xf32>
    %div3A_213 = arith.divf %broadcast_in_dim3A_210, %div3A_212 : vector<1x128xf32>
    %sub3A_214 = vector.broadcast %div3A_204 : vector<1x128xf32> to vector<10000x128xf32>
    %sub3A_215 = arith.subf %add3A_194, %sub3A_214 : vector<10000x128xf32>
    %broadcast_in_dim3A_216 = vector.shape_cast %get3A_196 : vector<128xf32> to vector<1x128xf32>
    %mul3A_217 = vector.broadcast %broadcast_in_dim3A_216 : vector<1x128xf32> to vector<10000x128xf32>
    %mul3A_218 = arith.mulf %mul3A_217, %sub3A_215 : vector<10000x128xf32>
    %add3A_219 = arith.constant 9.99999974E-6 : f32
    %add3A_220 = vector.broadcast %add3A_219 : f32 to vector<1x128xf32>
    %add3A_221 = arith.addf %div3A_213, %add3A_220 : vector<1x128xf32>
    %sqrt3A_222 = math.sqrt %add3A_221 : vector<1x128xf32>
    %div3A_223 = vector.broadcast %sqrt3A_222 : vector<1x128xf32> to vector<10000x128xf32>
    %div3A_224 = arith.divf %mul3A_218, %div3A_223 : vector<10000x128xf32>
    %broadcast_in_dim3A_225 = vector.shape_cast %get3A_198 : vector<128xf32> to vector<1x128xf32>
    %add3A_226 = vector.broadcast %broadcast_in_dim3A_225 : vector<1x128xf32> to vector<10000x128xf32>
    %add3A_227 = arith.addf %div3A_224, %add3A_226 : vector<10000x128xf32>
    %max3A_228 = arith.constant 0.000000e+00 : f32
    %max3A_229 = vector.broadcast %max3A_228 : f32 to vector<10000x128xf32>
    %max3A_230 = arith.maximumf %add3A_227, %max3A_229 : vector<10000x128xf32>
    %swap3A = arith.constant 0 : index
    %swap3A_231 = arith.constant 0 : index
    %swap3A_232 = vector.load %arg23[%swap3A, %swap3A_231] : memref<10000x128xf32, #tpu.memory_space<vmem>>, vector<10000x128xf32>
    tpu.vector_store %arg23[%swap3A, %swap3A_231], %max3A_230 {strides = array<i32>} : memref<10000x128xf32, #tpu.memory_space<vmem>>, vector<10000x128xf32>,
    return
  }
}

</mosaic_0001>

<sc_bundles>
// kernel: kernel.4.cloned.1.call-start
scs
__scs_entry_jumppad:
0x0: {  	(pc) =	sbr.rel $0x88, $3  }
0x1: {  	(tag) =	ssettag $0x0;
	lr =	simm.s32 $0x1  }
0x2: {  	[smem:$0x3F8A] =	sst lr;
	_ =	strace $0xD0000000  }
0x3: {  	_ = 	snop  }
0x4: {  	_ = 	snop  }
0x5: {  	_ = 	snop  }
0x6: {  	_ = 	snop  }
0x7: {  	_ = 	snop  }
__scs_overlays_trampoline_lowered:
0x8: {  	[smem:$0x3F99] =	sst s0  }
0x9: {  	[smem:$0x3F9A] =	sst s1  }
0xa: {  	[smem:$0x3F9B] =	sst s2  }
0xb: {  	[smem:$0x3F9C] =	sst s3  }
0xc: {  	[smem:$0x3F9D] =	sst s4  }
0xd: {  	[smem:$0x3F9E] =	sst s5  }
0xe: {  	[smem:$0x3F9F] =	sst s6  }
0xf: {  	[smem:$0x3FA0] =	sst s7  }
0x10: {  	[smem:$0x3FA1] =	sst s8  }
0x11: {  	[smem:$0x3FA2] =	sst s9;
	s0 =	simm.s32 @!p0 $0x0  }
0x12: {  	s1 =	sld [smem:$0x3F88];
	s0 =	simm.s32 @p0 $0x1  }
0x13: {  	[smem:$0x3FA3] =	sst s0;
	s0 =	simm.s32 @!p1 $0x0  }
0x14: {  	s2 =	sld [smem:$0x3F87];
	s0 =	simm.s32 @p1 $0x1  }
0x15: {  	[smem:$0x3FA4] =	sst s0;
	s0 =	simm.s32 @!p2 $0x0  }
0x16: {  	s3 =	sld [smem:$0x3FDB];
	s0 =	simm.s32 @p2 $0x1  }
0x17: {  	s4 =	simm.s32 $0x1BF5;
	[smem:$0x3FA6] =	sst s0  }
0x18: {  	s0 =	sld [smem:$0x3F89];
	_ =	swait.ge [sflag:s4], $0x0  }
0x19: {  	s7 =	sld [smem:$0x3F8A]  }
0x1a: {  	s8 =	sadd.s32 $0xFFFFE003, lr  }
0x1b: {  	s9 =	sadd.s32 $0xFFFFFEF7, lr;
	s5 =	simm.s32 $0xFFFFFFFF;
	p2 =	slt.u32 s8, $0xFFFFF086  }
0x1c: {  	p1 =	slt.u32 s9, $0xF7A;
	s5 =	simm.s32 @!p2 $0x0  }
0x1d: {  	s5 =	simm.s32 @p1 $0x1;
	p0 =	seq.s32 s7, s2  }
0x1e: {  	s7 =	smul.u32 @!p0 $0xF7A, s2;
	p2 =	seq.s32 @!p0 s5, $0x0  }
0x1f: {  	s9 =	smul.u32 $0xF7A, s1;
	s8 =	simm.s32 @!p0 $0x1BF5;
	p2 =	por !p2, p0  }
0x20: {  	[sflag:s8] =	ssyncset.s32 @!p0 $0xFFFFF086;
	s6 =	sadd.s32 @!p0 s3, s7;
	s7 =	simm.s32 @!p0 $0x108  }
0x21: {  	s3 =	sadd.s32 s3, s9;
	s6 =	sadd.s32 @!p0 $0x88, s6;
	s7 =	simm.s32 @p2 $0x1082  }
0x22: {  	[simem:s7], [sflag:s8] =	dma.local @!p0 [hbm:s6], $0xF7A  }
0x23: {  	s9 =	sor.u32 $0xD0000000, s2;
	s6 =	simm.s32 $0x108;
	_ =	swait.ge @!p0 [sflag:s8], $0x0  }
0x24: {  	s3 =	sadd.s32 $0x88, s3;
	s6 =	simm.s32 @!p1 $0x1082;
	[sflag:s4] =	ssyncset.s32 $0xFFFFF086  }
0x25: {  	[simem:s6], [sflag:s4] =	dma.local [hbm:s3], $0xF7A  }
0x26: {  	[smem:$0x3F8A] =	sst s1;
	(tag) =	ssettag s2;
	_ =	strace s9  }
0x27: {  	s1 =	sld [smem:$0x3F9A]  }
0x28: {  	s2 =	sld [smem:$0x3F9B]  }
0x29: {  	s4 =	sld [smem:$0x3F9D]  }
0x2a: {  	p0 =	seq.s32 s5, $0x0;
	s5 =	sld [smem:$0x3F9E]  }
0x2b: {  	s6 =	sld [smem:$0x3F9F]  }
0x2c: {  	s7 =	sld [smem:$0x3FA0]  }
0x2d: {  	s3 =	simm.s32 $0x108;
	s8 =	sld [smem:$0x3FA1]  }
0x2e: {  	s3 =	simm.s32 @!p0 $0x1082;
	s9 =	sld [smem:$0x3FA2]  }
0x2f: {  	lr =	sadd.s32 s0, s3;
	s0 =	sld [smem:$0x3F99]  }
0x30: {  	s3 =	sld [smem:$0x3F9C]  }
0x31: {  	[smem:$0x3FA5] =	sst s10  }
0x32: {  	s10 =	sld [smem:$0x3FA3];
	_ =	sdelay $0x3  }
0x33: {  	p0 =	seq.s32 s10, $0x1;
	s10 =	sld [smem:$0x3FA5];
	_ =	sdelay $0x3  }
0x34: {  	[smem:$0x3FA5] =	sst s10  }
0x35: {  	s10 =	sld [smem:$0x3FA4];
	_ =	sdelay $0x3  }
0x36: {  	p1 =	seq.s32 s10, $0x1;
	s10 =	sld [smem:$0x3FA5];
	_ =	sdelay $0x3  }
0x37: {  	[smem:$0x3FA5] =	sst s10  }
0x38: {  	s10 =	sld [smem:$0x3FA6]  }
0x39: {  	_ = 	snop;
	(pc) =	sbr.ind lr, $3  }
0x3a: {  	_ = 	snop  }
0x3b: {  	_ = 	snop  }
0x3c: {  	p2 =	seq.s32 s10, $0x1;
	s10 =	sld [smem:$0x3FA5]  }
0x3d: {  	_ =	shalt  }
0x3e: {  	_ =	shalt  }
0x3f: {  	_ =	shalt  }
0x40: {  	_ =	shalt  }
0x41: {  	_ =	shalt  }
0x42: {  	_ =	shalt  }
0x43: {  	_ =	shalt  }
0x44: {  	_ =	shalt  }
0x45: {  	_ =	shalt  }
0x46: {  	_ =	shalt  }
0x47: {  	_ =	shalt  }
0x48: {  	_ =	shalt  }
0x49: {  	_ =	shalt  }
0x4a: {  	_ =	shalt  }
0x4b: {  	_ =	shalt  }
0x4c: {  	_ =	shalt  }
0x4d: {  	_ =	shalt  }
0x4e: {  	_ =	shalt  }
0x4f: {  	_ =	shalt  }
0x50: {  	_ =	shalt  }
0x51: {  	_ =	shalt  }
0x52: {  	_ =	shalt  }
0x53: {  	_ =	shalt  }
0x54: {  	_ =	shalt  }
0x55: {  	_ =	shalt  }
0x56: {  	_ =	shalt  }
0x57: {  	_ =	shalt  }
0x58: {  	_ =	shalt  }
0x59: {  	_ =	shalt  }
0x5a: {  	_ =	shalt  }
0x5b: {  	_ =	shalt  }
0x5c: {  	_ =	shalt  }
0x5d: {  	_ =	shalt  }
0x5e: {  	_ =	shalt  }
0x5f: {  	_ =	shalt  }
0x60: {  	_ =	shalt  }
0x61: {  	_ =	shalt  }
0x62: {  	_ =	shalt  }
0x63: {  	_ =	shalt  }
0x64: {  	_ =	shalt  }
0x65: {  	_ =	shalt  }
0x66: {  	_ =	shalt  }
0x67: {  	_ =	shalt  }
0x68: {  	_ =	shalt  }
0x69: {  	_ =	shalt  }
0x6a: {  	_ =	shalt  }
0x6b: {  	_ =	shalt  }
0x6c: {  	_ =	shalt  }
0x6d: {  	_ =	shalt  }
0x6e: {  	_ =	shalt  }
0x6f: {  	_ =	shalt  }
0x70: {  	_ =	shalt  }
0x71: {  	_ =	shalt  }
0x72: {  	_ =	shalt  }
0x73: {  	_ =	shalt  }
0x74: {  	_ =	shalt  }
0x75: {  	_ =	shalt  }
0x76: {  	_ =	shalt  }
0x77: {  	_ =	shalt  }
0x78: {  	_ =	shalt  }
0x79: {  	_ =	shalt  }
0x7a: {  	_ =	shalt  }
0x7b: {  	_ =	shalt  }
0x7c: {  	_ =	shalt  }
0x7d: {  	_ =	shalt  }
0x7e: {  	_ =	shalt  }
0x7f: {  	_ =	shalt  }
0x80: {  	_ =	shalt  }
0x81: {  	_ =	shalt  }
0x82: {  	_ =	shalt  }
0x83: {  	_ =	shalt  }
0x84: {  	_ =	shalt  }
0x85: {  	_ =	shalt  }
0x86: {  	_ =	shalt  }
0x87: {  	_ =	shalt  }
.Lfunc_end0:
.L_simem_size_0:
called_computation_lowered:
.L_overlay_start_0:
0x88: {  	s2 =	sld [smem:$0x3FD9]  }
0x89: {  	s3 =	sld [smem:$0x3FFE];
	_ =	sdelay $0x1  }
0x8a: {  	s1 =	srdreg.scid  }
0x8b: {  	s0 =	sand.u32 $0x1, s1  }
0x8c: {  	s17 =	sshll.u32 s0, $0xA;
	s2 =	sadd.s32 s3, s2  }
0x8d: {  	s2 =	sadd.s32 s2, s17  }
0x8e: {  	[smem:$0x3FB1] =	sst s2  }
0x8f: {  	_ = 	snop  }
0x90: {  	s2 =	sld [smem:$0x3FC9];
	(tm) =	ssettm $0x1  }
0x91: {  	s18 =	sld [smem:$0x3FFB];
	_ =	sdelay $0x3  }
0x92: {  	_ =	strace s18  }
0x93: {  	s3 =	sld [smem:$0x3FFC];
	_ =	sdelay $0x3  }
0x94: {  	_ =	strace s3  }
0x95: {  	s3 =	sld [smem:$0x3FFD];
	_ =	sdelay $0x3  }
0x96: {  	_ =	strace s3  }
0x97: {  	_ =	strace $0x8FFFFFFF  }
0x98: {  	s19 =	sld [smem:$0x3FDB];
	_ =	sdelay $0x1  }
0x99: {  	s4 =	simm.s32 $_scs_section_size  }
0x9a: {  	s5 =	simm.s32 $_size__tile_overlayer_lowered;
	s6 =	simm.s32 $_tile_overlayer_lowered  }
0x9b: {  	s22 =	simm.s32 $0x1BFF;
	s21 =	sshll.u32 s6, $0x1;
	s3 =	sadd.s32 s4, s19  }
0x9c: {  	s7 =	simm.s32 $0x0;
	s20 =	sshll.u32 s5, $0x1;
	s5 =	sadd.s32 s21, s3  }
0x9d: {  	[timem:s7], [sflag:s22] =	dma.local [hbm:s5], s20  }
0x9e: {  	_ =	swait.ge [sflag:s22], s20  }
0x9f: {  	s4 =	ssub.s32 $0x0, s20;
	[sflag:s22] =	ssyncset.done $0x0  }
0xa0: {  	[sflag:s22] =	ssyncadd.s32 s4;
	_ =	sdelay $0x1  }
0xa1: {  	s23 =	simm.s32 $0x1B8B  }
0xa2: {  	_ =	swait.ge [sflag:s23], $0x1  }
0xa3: {  	[sflag:s23] =	ssyncset.done $0x0  }
0xa4: {  	s25 =	simm.s32 $0x1B8E;
	s24 =	sld [smem:$0x3FFE];
	[sflag:s23] =	ssyncadd.s32 $0xFFFFFFFF  }
0xa5: {  	s26 =	simm.s32 $execute0_lowered;
	[smem:$0x3FD2] =	sst s25  }
0xa6: {  	s5 =	sshll.u32 s26, $0x1;
	_ =	strace $0x80000046;
	[dreg:$0x1] =	wrdreg $0xFFFFFFFF  }
0xa7: {  	s28 =	simm.s32 $_size_execute0_lowered;
	s3 =	sadd.s32 s3, s5;
	[dreg:$0x0] =	wrdreg $0x0  }
0xa8: {  	s5 =	sshll.u32 s28, $0x1;
	[dreg:$0x2] =	wrdreg s3  }
0xa9: {  	[dreg:$0x3] =	wrdreg s5  }
0xaa: {  	[dreg:$0x4] =	wrdreg $0xC0  }
0xab: {  	_ =	task [dreg:s7], $0x5FFFF  }
0xac: {  	[dreg:$0x1] =	wrdreg $0xFFFFFFFF  }
0xad: {  	[dreg:$0x0] =	wrdreg $0x60  }
0xae: {  	[dreg:$0x2] =	wrdreg s2  }
0xaf: {  	[dreg:$0x3] =	wrdreg s24  }
0xb0: {  	[dreg:$0x4] =	wrdreg $0x138000  }
0xb1: {  	[dreg:$0x5] =	wrdreg $0x9  }
0xb2: {  	_ =	task.clear_ibuf [dreg:s7], $0x6FFFF;
	_ =	strace $0x90000046  }
0xb3: {  	s29 =	simm.s32 $0x9;
	_ =	strace $0x80000048  }
0xb4: {  	_ =	swait.ge [sflag:s29], $0x1  }
0xb5: {  	[sflag:s29] =	ssyncadd.s32 $0xFFFFFFFF  }
0xb6: {  	_ =	strace $0x90000048  }
0xb7: {  	_ =	sfence  }
0xb8: {  	s30 =	sld [smem:$0x0];
	_ =	sdelay $0x2  }
0xb9: {  	s31 =	sshll.u32 s1, $0xD;
	s1 =	sshrl.u32 s1, $0x2  }
0xba: {  	s3 =	sand.u32 $0x4000, s31;
	s1 =	sadd.s32 s1, s30  }
0xbb: {  	s0 =	sor.u32 s3, s0;
	s1 =	sshll.u32 s1, $0x11  }
0xbc: {  	s0 =	sor.u32 s1, s0  }
0xbd: {  	s0 =	sadd.s32 $0x8F2B, s0  }
0xbe: {  	[sflag:s0] =	ssyncadd.remote.s32 $0x1  }
0xbf: {  	_ =	sfence.sel $0xFFFF  }
0xc0: {  	[dreg:$0x0] =	wrdreg $0xFFFFFFFF;
	(pc) =	sbr.abs _section_cstart, $3  }
0xc1: {  	[dreg:$0x1] =	wrdreg $0xFFFFFFFF  }
0xc2: {  	_ =	task.clear_ibuf [dreg:s7], $0x2FFFF;
	_ =	strace $0x9FFFFFFF  }
0xc3: {  	(tm) =	ssettm $0x7FFFFFFF  }
tec
execute0_lowered:
.L_overlay_start_1:
0x0: {  	(tag) =	ssettag $0x1  }
0x1: {  	s1 =	rddreg [dreg:$0x0];
	s0 =	srdreg.scid  }
0x2: {  	s2 =	rddreg [dreg:$0x1];
	s13 =	stileid.u32  }
0x3: {  	s3 =	rddreg [dreg:$0x2];
	s4 =	simm.s32 $0x0;
	s6 =	smul.u32 $0x6C00, s13  }
0x4: {  	s28 =	simm.s32 $0x10800;
	s29 =	simm.s32 $0x1;
	s7 =	smul.u32 $0x28000, s13  }
0x5: {  	s30 =	simm.s32 $0x2;
	s31 =	simm.s32 $0xD300;
	s9 =	smul.u32 $0x1400, s13  }
0x6: {  	s0 =	sand.u32 $0x1, s0;
	[smem:$0x7FF] =	sst s4;
	s19 =	smul.u32 $0xA000, s13  }
0x7: {  	p0 =	seq.s32 s13, $0xF;
	s21 =	sadd.s32 $0x12C00, s1;
	s22 =	smul.u32 $0x9C00, s13  }
0x8: {  	s23 =	smul.u32 $0x27000, s13;
	s14 =	sadd.s32 $0x92400, s3;
	s15 =	sadd.s32 $0x25D80, s1  }
0x9: {  	s5 =	smul.u32 $0x144000, s0;
	_ =	strace $0x80000047;
	s17 =	ssub.s32 $0x2, s0  }
0xa: {  	s0 =	smul.u32 $0x138800, s0;
	[dreg:$0x7] =	wrdreg s21;
	s8 =	sshrl.u32 s17, $0x1  }
0xb: {  	s7 =	sshrl.u32 s7, $0x2;
	s20 =	sadd.s32 s1, s9;
	s24 =	sadd.s32 $0x9C800, s22  }
0xc: {  	s22 =	simm.s32 $0x6C00;
	s5 =	sadd.s32 s6, s5;
	s6 =	ssub.s32 s17, s8  }
0xd: {  	s7 =	sadd.s32 s7, s3;
	[dreg:$0x6] =	wrdreg s20;
	s8 =	sadd.s32 s19, s0  }
0xe: {  	s25 =	sshrl.u32 s0, $0x3;
	s12 =	sshrl.u32 s24, $0x3;
	s0 =	sadd.s32 s24, s0  }
0xf: {  	s19 =	simm.s32 $0x3;
	s24 =	simm.s32 $0xD800;
	s5 =	sshrl.u32 s5, $0x3  }
0x10: {  	[dreg:$0x5] =	wrdreg s7;
	s7 =	sadd.s32 $0x96000, s3;
	s8 =	sshrl.u32 s8, $0x3  }
0x11: {  	s26 =	sadd.s32 s1, s12;
	s17 =	smax.u32 s6, $0x1;
	s0 =	sshrl.u32 s0, $0x3  }
0x12: {  	s6 =	simm.s32 $0xD400;
	s5 =	sadd.s32 s5, s2;
	s2 =	sadd.s32 $0x52600, s2  }
0x13: {  	[dreg:$0xa] =	wrdreg s26;
	s20 =	sshrl.u32 @p0 s7, $0x3;
	s18 =	sadd.s32 $0x1600, s5  }
0x14: {  	s26 =	simm.s32 $0x80;
	s10 =	sadd.s32 $0xEE00, s5;
	[dreg:$0x4] =	wrdreg s18  }
0x15: {  	s7 =	simm.s32 $0xD480;
	s8 =	sadd.s32 s2, s8;
	[dreg:$0x8] =	wrdreg s10  }
0x16: {  	s9 =	sadd.s32 s2, s25;
	s16 =	sadd.s32 $0x1C600, s5;
	[dreg:$0x9] =	wrdreg s8  }
0x17: {  	s10 =	sshrl.u32 s23, $0x2;
	s9 =	sadd.s32 $0x12C00, s9;
	s18 =	sadd.s32 s2, s0  }
0x18: {  	s0 =	sshll.u32 @!p0 s13, $0x6;
	s23 =	simm.s32 $0x60;
	s11 =	sadd.s32 s10, s3  }
0x19: {  	s2 =	simm.s32 $0x6800;
	s8 =	simm.s32 $0x0;
	s5 =	smov.u32 s11  }
0x1a: {  	[dreg:$0xb] =	wrdreg s9;
	s21 =	sor.u32 @!p0 $0x1C03, s0;
	s5 =	smov.u32 @p0 s14  }
0x1b: {  	s0 =	simm.s32 $0xD380;
	s25 =	sshrl.u32 s5, $0x3;
	s5 =	simm.s32 $0x6880  }
.LBB2_1:
0x1c: {  	s9 =	rddreg [dreg:$0x4]  }
0x1d: {  	[tilespmem:s4], [sflag:$0x3] =	stream.linear.gather [hbm4b:s9+s4], $0x6900, $0x38;
	[tilespmem:$0x1D500] =	vst v63  }
0x1e: {  	_ =	swait.ge [sflag:s19], $0x6900  }
0x1f: {  	[sflag:s19] =	ssyncset.done $0x0  }
0x20: {  	s9 =	simm.s32 @p0 $0x1FC3;
	s10 =	rddreg [dreg:$0x7];
	[sflag:s19] =	ssyncadd.s32 $0xFFFF9700  }
0x21: {  	[spmem:s20], [sflag:s9] =	dma.local @p0 [hbm:s10], $0xD00  }
0x22: {  	s9 =	simm.s32 @p0 $0x3  }
0x23: {  	_ =	swait.ge @p0 [sflag:s9], $0xD00  }
0x24: {  	[sflag:s9] =	ssyncset.done @p0 $0x0  }
0x25: {  	[sflag:s9] =	ssyncadd.s32 @p0 $0xFFFFF300;
	s9 =	rddreg [dreg:$0x5]  }
0x26: {  	s10 =	rddreg [dreg:$0x6];
	s9 =	sshrl.u32 @!p0 s9, $0x3  }
0x27: {  	[spmem:s9], [sflag:s21] =	dma.local @!p0 [hbm:s10], $0x1400  }
0x28: {  	s10 =	simm.s32 @!p0 $0x3  }
0x29: {  	_ =	swait.ge @!p0 [sflag:s10], $0x1400  }
0x2a: {  	[sflag:s10] =	ssyncset.done @!p0 $0x0  }
0x2b: {  	s12 =	rddreg [dreg:$0x8];
	[sflag:s10] =	ssyncadd.s32 @!p0 $0xFFFFEC00  }
0x2c: {  	[tilespmem:s22], [sflag:$0x3] =	stream.linear.gather [hbm4b:s12+s4], $0x6900, $0x38;
	[tilespmem:$0x1D500] =	vst v63  }
0x2d: {  	_ =	swait.ge [sflag:s19], $0x6900  }
0x2e: {  	[sflag:s19] =	ssyncset.done $0x0  }
0x2f: {  	[sflag:s19] =	ssyncadd.s32 $0xFFFF9700  }
0x30: {  	[bflag:$0x0] =	sbarrier.arrive $0xFFFF  }
0x31: {  	[tilespmem:s24], [sflag:$0x1] =	stream.indirect.gather [hbm4b:s1+s23], $0x80, s4, s23, $0xb8;
	[tilespmem:$0x1D500] =	vst v63  }
0x32: {  	_ = 	snop  }
0x33: {  	[tilespmem:s28], [sflag:$0x2] =	stream.indirect.gather [hbm4b:s1+s23], $0x80, s26, s23, $0xb8;
	[tilespmem:$0x1D500] =	vst v63  }
0x34: {  	_ =	swait.ge [sflag:s29], $0x3000  }
0x35: {  	[sflag:s29] =	ssyncset.done $0x0  }
0x36: {  	s13 =	simm.s32 $0x6C00;
	[sflag:s29] =	ssyncadd.s32 $0xFFFFD000  }
0x37: {  	[spmem:s3] =	stream.indirect.scatter.add.f32 [tilespmem:s24], [sflag:$0x3], $0x80, s13, s23, $0xb8;
	[tilespmem:$0x1D500] =	vst v63  }
0x38: {  	_ =	swait.ge [sflag:s19], $0x3000  }
0x39: {  	[sflag:s19] =	ssyncset.done $0x0  }
0x3a: {  	s12 =	simm.s32 $0x100;
	[sflag:s19] =	ssyncadd.s32 $0xFFFFD000  }
0x3b: {  	[tilespmem:s24], [sflag:$0x1] =	stream.indirect.gather [hbm4b:s1+s23], $0x80, s12, s23, $0xb8;
	[tilespmem:$0x1D500] =	vst v63  }
0x3c: {  	_ =	swait.ge [sflag:s30], $0x3000  }
0x3d: {  	[sflag:s30] =	ssyncset.done $0x0  }
0x3e: {  	s13 =	simm.s32 $0x6C80;
	[sflag:s30] =	ssyncadd.s32 $0xFFFFD000  }
0x3f: {  	[spmem:s3] =	stream.indirect.scatter.add.f32 [tilespmem:s28], [sflag:$0x3], $0x80, s13, s23, $0xb8;
	[tilespmem:$0x1D500] =	vst v63  }
0x40: {  	_ =	swait.ge [sflag:s19], $0x3000  }
0x41: {  	[sflag:s19] =	ssyncset.done $0x0  }
0x42: {  	s10 =	simm.s32 $0x400;
	s12 =	simm.s32 $0x180;
	[sflag:s19] =	ssyncadd.s32 $0xFFFFD000  }
.LBB2_2:
0x43: {  	[tilespmem:s28], [sflag:$0x2] =	stream.indirect.gather [hbm4b:s1+s23], $0x80, s12, s23, $0xb8;
	[tilespmem:$0x1D500] =	vst v63  }
0x44: {  	s12 =	smov.u32 s10  }
0x45: {  	p1 =	sne.s32 s10, $0x19800;
	s10 =	sadd.s32 $0x400, s10;
	_ =	swait.ge [sflag:s29], $0x3000  }
0x46: {  	s12 =	sshra.s32 s12, $0x2;
	[sflag:s29] =	ssyncset.done $0x0  }
0x47: {  	s13 =	sadd.s32 $0x6C00, s12;
	[sflag:s29] =	ssyncadd.s32 $0xFFFFD000  }
0x48: {  	[spmem:s3] =	stream.indirect.scatter.add.f32 [tilespmem:s24], [sflag:$0x3], $0x80, s13, s23, $0xb8;
	[tilespmem:$0x1D500] =	vst v63  }
0x49: {  	_ =	swait.ge [sflag:s19], $0x3000  }
0x4a: {  	[sflag:s19] =	ssyncset.done $0x0  }
0x4b: {  	s13 =	sadd.s32 $0x100, s12;
	[sflag:s19] =	ssyncadd.s32 $0xFFFFD000  }
0x4c: {  	[tilespmem:s24], [sflag:$0x1] =	stream.indirect.gather [hbm4b:s1+s23], $0x80, s13, s23, $0xb8;
	[tilespmem:$0x1D500] =	vst v63  }
0x4d: {  	_ =	swait.ge [sflag:s30], $0x3000  }
0x4e: {  	[sflag:s30] =	ssyncset.done $0x0  }
.Ltmp0:
0x4f: {  	s13 =	sadd.s32 $0x6C80, s12;
	[sflag:s30] =	ssyncadd.s32 $0xFFFFD000;
	(pc) =	sbr.rel @p1 .LBB2_2-.Ltmp0, $4  }
0x50: {  	[spmem:s3] =	stream.indirect.scatter.add.f32 [tilespmem:s28], [sflag:$0x3], $0x80, s13, s23, $0xb8;
	[tilespmem:$0x1D500] =	vst v63  }
0x51: {  	_ =	swait.ge [sflag:s19], $0x3000  }
0x52: {  	[sflag:s19] =	ssyncset.done $0x0  }
0x53: {  	s12 =	sadd.s32 $0x180, s12;
	[sflag:s19] =	ssyncadd.s32 $0xFFFFD000  }
0x54: {  	[tilespmem:s28], [sflag:$0x2] =	stream.indirect.gather [hbm4b:s1+s23], $0x80, s12, s23, $0xb8;
	[tilespmem:$0x1D500] =	vst v63  }
0x55: {  	_ =	swait.ge [sflag:s29], $0x3000  }
0x56: {  	[sflag:s29] =	ssyncset.done $0x0  }
0x57: {  	[sflag:s29] =	ssyncadd.s32 $0xFFFFD000  }
0x58: {  	[spmem:s3] =	stream.indirect.scatter.add.f32 [tilespmem:s24], [sflag:$0x3], $0x80, s31, s23, $0xb8;
	[tilespmem:$0x1D500] =	vst v63  }
0x59: {  	_ =	swait.ge [sflag:s19], $0x3000  }
0x5a: {  	[sflag:s19] =	ssyncset.done $0x0  }
0x5b: {  	[sflag:s19] =	ssyncadd.s32 $0xFFFFD000  }
0x5c: {  	[tilespmem:s24], [sflag:$0x1] =	stream.indirect.gather [hbm4b:s1+s23], $0x80, s2, s23, $0xb8;
	[tilespmem:$0x1D500] =	vst v63  }
0x5d: {  	_ =	swait.ge [sflag:s30], $0x3000  }
0x5e: {  	[sflag:s30] =	ssyncset.done $0x0  }
0x5f: {  	[sflag:s30] =	ssyncadd.s32 $0xFFFFD000  }
0x60: {  	[spmem:s3] =	stream.indirect.scatter.add.f32 [tilespmem:s28], [sflag:$0x3], $0x80, s0, s23, $0xb8;
	[tilespmem:$0x1D500] =	vst v63  }
0x61: {  	_ =	swait.ge [sflag:s19], $0x3000  }
0x62: {  	[sflag:s19] =	ssyncset.done $0x0  }
0x63: {  	[sflag:s19] =	ssyncadd.s32 $0xFFFFD000  }
0x64: {  	[tilespmem:s28], [sflag:$0x2] =	stream.indirect.gather [hbm4b:s1+s23], $0x80, s5, s23, $0xb8;
	[tilespmem:$0x1D500] =	vst v63  }
0x65: {  	_ =	swait.ge [sflag:s29], $0x3000  }
0x66: {  	[sflag:s29] =	ssyncset.done $0x0  }
0x67: {  	[sflag:s29] =	ssyncadd.s32 $0xFFFFD000  }
0x68: {  	[spmem:s3] =	stream.indirect.scatter.add.f32 [tilespmem:s24], [sflag:$0x3], $0x80, s6, s23, $0xb8;
	[tilespmem:$0x1D500] =	vst v63  }
0x69: {  	_ =	swait.ge [sflag:s19], $0x3000  }
0x6a: {  	[sflag:s19] =	ssyncset.done $0x0  }
0x6b: {  	[sflag:s19] =	ssyncadd.s32 $0xFFFFD000  }
0x6c: {  	[tilespmem:s24], [sflag:$0x1] =	stream.indirect.gather [hbm4b:s1+s23], $0x80, s5, s23, $0xb8;
	[tilespmem:$0x1D500] =	vst v63  }
0x6d: {  	_ =	swait.ge [sflag:s30], $0x3000  }
0x6e: {  	[sflag:s30] =	ssyncset.done $0x0  }
0x6f: {  	[sflag:s30] =	ssyncadd.s32 $0xFFFFD000  }
0x70: {  	[spmem:s3] =	stream.indirect.scatter.add.f32 [tilespmem:s28], [sflag:$0x3], $0x80, s7, s23, $0xb8;
	[tilespmem:$0x1D500] =	vst v63  }
0x71: {  	_ =	swait.ge [sflag:s19], $0x3000  }
0x72: {  	[sflag:s19] =	ssyncset.done $0x0  }
0x73: {  	[sflag:s19] =	ssyncadd.s32 $0xFFFFD000  }
0x74: {  	[tilespmem:s28], [sflag:$0x2] =	stream.indirect.gather [hbm4b:s1+s23], $0x80, s5, s23, $0xb8;
	[tilespmem:$0x1D500] =	vst v63  }
0x75: {  	_ =	swait.ge [sflag:s29], $0x3000  }
0x76: {  	[sflag:s29] =	ssyncset.done $0x0  }
0x77: {  	[sflag:s29] =	ssyncadd.s32 $0xFFFFD000  }
0x78: {  	_ =	swait.ge [sflag:s30], $0x3000  }
0x79: {  	[sflag:s30] =	ssyncset.done $0x0  }
0x7a: {  	[sflag:s30] =	ssyncadd.s32 $0xFFFFD000  }
0x7b: {  	[bflag:$0x0] =	sbarrier.arrive $0xFFFF  }
0x7c: {  	s10 =	simm.s32 @p0 $0x1FC3;
	s12 =	rddreg [dreg:$0xb]  }
0x7d: {  	[hbm:s12], [sflag:s10] =	dma.local @p0 [spmem:s20], $0xD00  }
0x7e: {  	s12 =	simm.s32 @p0 $0x3  }
0x7f: {  	_ =	swait.ge @p0 [sflag:s12], $0xD00  }
0x80: {  	[sflag:s12] =	ssyncset.done @p0 $0x0  }
0x81: {  	[sflag:s12] =	ssyncadd.s32 @p0 $0xFFFFF300  }
0x82: {  	s12 =	sshrl.u32 @p0 s14, $0x3;
	[bflag:$0x0] =	sbarrier.arrive @p0 $0xFFFF  }
0x83: {  	[spmem:s12], [sflag:s10] =	dma.local @p0 [hbm:s15], $0x1380  }
0x84: {  	s10 =	rddreg [dreg:$0x9]  }
0x85: {  	[hbm:s10], [sflag:s21] =	dma.local @!p0 [spmem:s9], $0x1400  }
0x86: {  	s9 =	simm.s32 @!p0 $0x3  }
0x87: {  	_ =	swait.ge @!p0 [sflag:s9], $0x1400  }
0x88: {  	[sflag:s9] =	ssyncset.done @!p0 $0x0  }
0x89: {  	[sflag:s9] =	ssyncadd.s32 @!p0 $0xFFFFEC00  }
0x8a: {  	[bflag:$0x0] =	sbarrier.arrive @!p0 $0xFFFF  }
0x8b: {  	s9 =	sshrl.u32 @!p0 s11, $0x3;
	s10 =	rddreg [dreg:$0xa]  }
0x8c: {  	[spmem:s9], [sflag:s21] =	dma.local @!p0 [hbm:s10], $0x1380  }
0x8d: {  	_ =	swait.ge [sflag:s19], $0x1380  }
0x8e: {  	[sflag:s19] =	ssyncset.done $0x0  }
0x8f: {  	s13 =	simm.s32 $0x0;
	[sflag:s19] =	ssyncadd.s32 $0xFFFFEC80  }
0x90: {  	[tilespmem:s22], [sflag:$0x3] =	stream.linear.gather [hbm4b:s16+s13], $0x6900, $0x38;
	[tilespmem:$0x1D500] =	vst v63  }
0x91: {  	_ =	swait.ge [sflag:s19], $0x6900  }
0x92: {  	[sflag:s19] =	ssyncset.done $0x0  }
0x93: {  	[sflag:s19] =	ssyncadd.s32 $0xFFFF9700  }
0x94: {  	[bflag:$0x0] =	sbarrier.arrive $0xFFFF  }
0x95: {  	[tilespmem:s24], [sflag:$0x1] =	stream.indirect.gather [hbm4b:s1+s23], $0x80, s13, s23, $0xb8;
	[tilespmem:$0x1D500] =	vst v63  }
0x96: {  	_ = 	snop  }
0x97: {  	[tilespmem:s28], [sflag:$0x2] =	stream.indirect.gather [hbm4b:s1+s23], $0x80, s26, s23, $0xb8;
	[tilespmem:$0x1D500] =	vst v63  }
0x98: {  	_ =	swait.ge [sflag:s29], $0x3000  }
0x99: {  	[sflag:s29] =	ssyncset.done $0x0  }
0x9a: {  	s10 =	simm.s32 $0x6C00;
	[sflag:s29] =	ssyncadd.s32 $0xFFFFD000  }
0x9b: {  	[spmem:s3] =	stream.indirect.scatter.add.f32 [tilespmem:s24], [sflag:$0x3], $0x80, s10, s23, $0xb8;
	[tilespmem:$0x1D500] =	vst v63  }
0x9c: {  	_ =	swait.ge [sflag:s19], $0x3000  }
0x9d: {  	[sflag:s19] =	ssyncset.done $0x0  }
0x9e: {  	s12 =	simm.s32 $0x100;
	[sflag:s19] =	ssyncadd.s32 $0xFFFFD000  }
0x9f: {  	[tilespmem:s24], [sflag:$0x1] =	stream.indirect.gather [hbm4b:s1+s23], $0x80, s12, s23, $0xb8;
	[tilespmem:$0x1D500] =	vst v63  }
0xa0: {  	_ =	swait.ge [sflag:s30], $0x3000  }
0xa1: {  	[sflag:s30] =	ssyncset.done $0x0  }
0xa2: {  	s13 =	simm.s32 $0x6C80;
	[sflag:s30] =	ssyncadd.s32 $0xFFFFD000  }
0xa3: {  	[spmem:s3] =	stream.indirect.scatter.add.f32 [tilespmem:s28], [sflag:$0x3], $0x80, s13, s23, $0xb8;
	[tilespmem:$0x1D500] =	vst v63  }
0xa4: {  	_ =	swait.ge [sflag:s19], $0x3000  }
0xa5: {  	[sflag:s19] =	ssyncset.done $0x0  }
0xa6: {  	s9 =	simm.s32 $0x400;
	s10 =	simm.s32 $0x180;
	[sflag:s19] =	ssyncadd.s32 $0xFFFFD000  }
.LBB2_4:
0xa7: {  	[tilespmem:s28], [sflag:$0x2] =	stream.indirect.gather [hbm4b:s1+s23], $0x80, s10, s23, $0xb8;
	[tilespmem:$0x1D500] =	vst v63  }
0xa8: {  	s10 =	smov.u32 s9  }
0xa9: {  	p1 =	sne.s32 s9, $0x19800;
	s9 =	sadd.s32 $0x400, s9;
	_ =	swait.ge [sflag:s29], $0x3000  }
0xaa: {  	s10 =	sshra.s32 s10, $0x2;
	[sflag:s29] =	ssyncset.done $0x0  }
0xab: {  	s12 =	sadd.s32 $0x6C00, s10;
	[sflag:s29] =	ssyncadd.s32 $0xFFFFD000  }
0xac: {  	[spmem:s3] =	stream.indirect.scatter.add.f32 [tilespmem:s24], [sflag:$0x3], $0x80, s12, s23, $0xb8;
	[tilespmem:$0x1D500] =	vst v63  }
0xad: {  	_ =	swait.ge [sflag:s19], $0x3000  }
0xae: {  	[sflag:s19] =	ssyncset.done $0x0  }
0xaf: {  	s12 =	sadd.s32 $0x100, s10;
	[sflag:s19] =	ssyncadd.s32 $0xFFFFD000  }
0xb0: {  	[tilespmem:s24], [sflag:$0x1] =	stream.indirect.gather [hbm4b:s1+s23], $0x80, s12, s23, $0xb8;
	[tilespmem:$0x1D500] =	vst v63  }
0xb1: {  	_ =	swait.ge [sflag:s30], $0x3000  }
0xb2: {  	[sflag:s30] =	ssyncset.done $0x0  }
.Ltmp1:
0xb3: {  	s12 =	sadd.s32 $0x6C80, s10;
	[sflag:s30] =	ssyncadd.s32 $0xFFFFD000;
	(pc) =	sbr.rel @p1 .LBB2_4-.Ltmp1, $4  }
0xb4: {  	[spmem:s3] =	stream.indirect.scatter.add.f32 [tilespmem:s28], [sflag:$0x3], $0x80, s12, s23, $0xb8;
	[tilespmem:$0x1D500] =	vst v63  }
0xb5: {  	_ =	swait.ge [sflag:s19], $0x3000  }
0xb6: {  	[sflag:s19] =	ssyncset.done $0x0  }
0xb7: {  	s10 =	sadd.s32 $0x180, s10;
	[sflag:s19] =	ssyncadd.s32 $0xFFFFD000  }
0xb8: {  	[tilespmem:s28], [sflag:$0x2] =	stream.indirect.gather [hbm4b:s1+s23], $0x80, s10, s23, $0xb8;
	[tilespmem:$0x1D500] =	vst v63  }
0xb9: {  	_ =	swait.ge [sflag:s29], $0x3000  }
0xba: {  	[sflag:s29] =	ssyncset.done $0x0  }
0xbb: {  	[sflag:s29] =	ssyncadd.s32 $0xFFFFD000  }
0xbc: {  	[spmem:s3] =	stream.indirect.scatter.add.f32 [tilespmem:s24], [sflag:$0x3], $0x80, s31, s23, $0xb8;
	[tilespmem:$0x1D500] =	vst v63  }
0xbd: {  	_ =	swait.ge [sflag:s19], $0x3000  }
0xbe: {  	[sflag:s19] =	ssyncset.done $0x0  }
0xbf: {  	[sflag:s19] =	ssyncadd.s32 $0xFFFFD000  }
0xc0: {  	[tilespmem:s24], [sflag:$0x1] =	stream.indirect.gather [hbm4b:s1+s23], $0x80, s2, s23, $0xb8;
	[tilespmem:$0x1D500] =	vst v63  }
0xc1: {  	_ =	swait.ge [sflag:s30], $0x3000  }
0xc2: {  	[sflag:s30] =	ssyncset.done $0x0  }
0xc3: {  	[sflag:s30] =	ssyncadd.s32 $0xFFFFD000  }
0xc4: {  	[spmem:s3] =	stream.indirect.scatter.add.f32 [tilespmem:s28], [sflag:$0x3], $0x80, s0, s23, $0xb8;
	[tilespmem:$0x1D500] =	vst v63  }
0xc5: {  	_ =	swait.ge [sflag:s19], $0x3000  }
0xc6: {  	[sflag:s19] =	ssyncset.done $0x0  }
0xc7: {  	[sflag:s19] =	ssyncadd.s32 $0xFFFFD000  }
0xc8: {  	[tilespmem:s28], [sflag:$0x2] =	stream.indirect.gather [hbm4b:s1+s23], $0x80, s5, s23, $0xb8;
	[tilespmem:$0x1D500] =	vst v63  }
0xc9: {  	_ =	swait.ge [sflag:s29], $0x3000  }
0xca: {  	[sflag:s29] =	ssyncset.done $0x0  }
0xcb: {  	[sflag:s29] =	ssyncadd.s32 $0xFFFFD000  }
0xcc: {  	[spmem:s3] =	stream.indirect.scatter.add.f32 [tilespmem:s24], [sflag:$0x3], $0x80, s6, s23, $0xb8;
	[tilespmem:$0x1D500] =	vst v63  }
0xcd: {  	_ =	swait.ge [sflag:s19], $0x3000  }
0xce: {  	[sflag:s19] =	ssyncset.done $0x0  }
0xcf: {  	[sflag:s19] =	ssyncadd.s32 $0xFFFFD000  }
0xd0: {  	[tilespmem:s24], [sflag:$0x1] =	stream.indirect.gather [hbm4b:s1+s23], $0x80, s5, s23, $0xb8;
	[tilespmem:$0x1D500] =	vst v63  }
0xd1: {  	_ =	swait.ge [sflag:s30], $0x3000  }
0xd2: {  	[sflag:s30] =	ssyncset.done $0x0  }
0xd3: {  	[sflag:s30] =	ssyncadd.s32 $0xFFFFD000  }
0xd4: {  	[spmem:s3] =	stream.indirect.scatter.add.f32 [tilespmem:s28], [sflag:$0x3], $0x80, s7, s23, $0xb8;
	[tilespmem:$0x1D500] =	vst v63  }
0xd5: {  	_ =	swait.ge [sflag:s19], $0x3000  }
0xd6: {  	[sflag:s19] =	ssyncset.done $0x0  }
0xd7: {  	[sflag:s19] =	ssyncadd.s32 $0xFFFFD000  }
0xd8: {  	[tilespmem:s28], [sflag:$0x2] =	stream.indirect.gather [hbm4b:s1+s23], $0x80, s5, s23, $0xb8;
	[tilespmem:$0x1D500] =	vst v63  }
0xd9: {  	_ =	swait.ge [sflag:s29], $0x3000  }
0xda: {  	[sflag:s29] =	ssyncset.done $0x0  }
0xdb: {  	[sflag:s29] =	ssyncadd.s32 $0xFFFFD000  }
0xdc: {  	_ =	swait.ge [sflag:s30], $0x3000  }
0xdd: {  	s9 =	stileid.u32;
	[sflag:s30] =	ssyncset.done $0x0  }
0xde: {  	s8 =	sadd.s32 $0x1, s8;
	s9 =	sshll.u32 s9, $0x6;
	[sflag:s30] =	ssyncadd.s32 $0xFFFFD000  }
0xdf: {  	p1 =	sne.s32 s8, s17;
	s9 =	sor.u32 $0x1C03, s9;
	[bflag:$0x0] =	sbarrier.arrive $0xFFFF  }
0xe0: {  	[hbm:s18], [sflag:s9] =	dma.local [spmem:s25], $0x1380  }
.Ltmp2:
0xe1: {  	_ =	swait.ge [sflag:s19], $0x1380;
	(pc) =	sbr.rel @p1 .LBB2_1-.Ltmp2, $3  }
0xe2: {  	[sflag:s19] =	ssyncset.done $0x0  }
0xe3: {  	[sflag:s19] =	ssyncadd.s32 $0xFFFFEC80  }
0xe4: {  	[bflag:$0x0] =	sbarrier.arrive $0xFFFF;
	_ =	sdelay $0x1  }
0xe5: {  	_ =	sfence.sel $0x180000  }
0xe6: {  	[bflag:$0x0] =	sbarrier.arrive $0xFFFF  }
0xe7: {  	_ =	strace $0x90000047  }
0xe8: {  	s0 =	stileid.u32;
	[bflag:$0x2] =	sbarrier.arrive $0xFFFF  }
0xe9: {  	p0 =	sne.s32 s0, $0x0;
	s0 =	rddreg [dreg:$0x3]  }
0xea: {  	s0 =	sadd.s32 @!p0 $0x100000, s0  }
0xeb: {  	[sflag:s0] =	ssyncadd.tile.s32 @!p0 $0x1;
	_ =	shalt  }
.Lfunc_end2:
_tile_overlayer_lowered:
.L_overlay_start_2:
0xec: {  	(tag) =	ssettag $0x2  }
0xed: {  	s0 =	rddreg [dreg:$0x0];
	s2 =	stileid.u32  }
0xee: {  	s1 =	rddreg [dreg:$0x1];
	p0 =	sne.s32 s2, $0x0  }
0xef: {  	s3 =	rddreg [dreg:$0x2];
	[bflag:$0x3] =	sbarrier.arrive $0xFFFF;
	s2 =	simm.s32 @!p0 $0x1C03  }
0xf0: {  	[timem:s3], [sflag:s2] =	dma.local @!p0 [hbm:s0], s1  }
0xf1: {  	s0 =	simm.s32 @!p0 $0x3  }
0xf2: {  	_ =	swait.ge @!p0 [sflag:s0], s1  }
0xf3: {  	s1 =	ssub.s32 @!p0 $0x0, s1;
	[sflag:s0] =	ssyncset.done @!p0 $0x0  }
0xf4: {  	[sflag:s0] =	ssyncadd.s32 @!p0 s1  }
0xf5: {  	[bflag:$0x3] =	sbarrier.arrive $0xFFFF  }
0xf6: {  	_ =	shalt  }

</sc_bundles>
